<compile_context>
chip_gen: v7x
topology: tpu7x:2x2x1
jax: 0.10.2.dev20260603
libtpu: 0.0.44.dev20260713+nightly
codegen_flags: <defaults>
</compile_context>

<pallas_src>
import functools

import jax
import jax.numpy as jnp
from jax import lax
from jax.experimental import pallas as pl
from jax.experimental.pallas import tpu as pltpu
from jax.experimental.pallas import tpu_sc as plsc

_P = 7
_S = 2
_SCALE = 0.25
_L = 16
_NC = 2
_NS = 16
_NW = _NC * _NS


def _bf16x2(w):
    wi = plsc.bitcast(w, jnp.int32)
    wi = (wi + jnp.int32(0x8000)) & jnp.int32(-0x10000)
    pair = wi | lax.shift_right_logical(wi, 16)
    return plsc.bitcast(pair, jnp.bfloat16)


def _take(vec, i):
    idx = jnp.full((_L, 1), i, jnp.int32)
    dnums = lax.GatherDimensionNumbers(
        offset_dims=(), collapsed_slice_dims=(0,), start_index_map=(0,))
    return lax.gather(vec, idx, dnums, (1,),
                      mode=lax.GatherScatterMode.PROMISE_IN_BOUNDS)


@functools.lru_cache(maxsize=None)
def _make_roi_kernel(N, C, H, W, M):
    BPW = M // _NW
    PP = _P * _P
    CW = C // 2
    mesh = plsc.VectorSubcoreMesh(core_axis_name="c", subcore_axis_name="s")

    @functools.partial(
        pl.kernel,
        mesh=mesh,
        compiler_params=pltpu.CompilerParams(needs_layout_passes=False),
        out_type=jax.ShapeDtypeStruct((M, PP, CW), jnp.int32),
        scratch_types=[
            pltpu.VMEM((5 * BPW,), jnp.float32),
            pltpu.VMEM((2, 8 * _L), jnp.int32),
            pltpu.VMEM((2, 8 * _L, CW), jnp.int32),
            pltpu.VMEM((PP, CW), jnp.int32),
            pltpu.SemaphoreType.DMA,
        ],
    )
    def roi_sc(table_hbm, boxes_hbm, out_hbm, boxes_v, idx_v, g_v, o_v, sem):
        wid = lax.axis_index("s") * _NC + lax.axis_index("c")
        for f in range(5):
            pltpu.sync_copy(boxes_hbm.at[pl.ds(f * M + wid * BPW, BPW)],
                            boxes_v.at[pl.ds(f * BPW, BPW)])

        def box_body(bi, carry):
            chunk = (bi // _L) * _L
            lane = bi - chunk

            def field(f):
                return _take(boxes_v[pl.ds(f * BPW + chunk, _L)], lane)

            b_f = field(0)
            x1 = field(1) * _SCALE - 0.5
            y1 = field(2) * _SCALE - 0.5
            x2 = field(3) * _SCALE - 0.5
            y2 = field(4) * _SCALE - 0.5
            binw = (x2 - x1) * (1.0 / _P)
            binh = (y2 - y1) * (1.0 / _P)
            t = lax.iota(jnp.int32, _L)
            grid = (t >> 1).astype(jnp.float32) + ((t & 1).astype(jnp.float32) + 0.5) * (1.0 / _S)
            xs = x1 + grid * binw
            ys = y1 + grid * binh

            def prep(v, L):
                valid = (v >= -1.0) & (v <= float(L))
                v = jnp.maximum(v, 0.0)
                low = jnp.minimum(v.astype(jnp.int32), L - 1)
                high = jnp.minimum(low + 1, L - 1)
                frac = jnp.where(low >= L - 1, 0.0, v - low.astype(jnp.float32))
                wlo = jnp.where(valid, (1.0 - frac) * (1.0 / _S), 0.0)
                whi = jnp.where(valid, frac * (1.0 / _S), 0.0)
                return low, high, wlo, whi

            yl, yh, wloy, whiy = prep(ys, H)
            xl, xh, wlox, whix = prep(xs, W)
            bbase = b_f.astype(jnp.int32) * (H * W)

            def start_gather(p):
                par = p & 1
                for i_off in range(_S):
                    i = _S * p + i_off
                    for yc in range(2):
                        yv = _take(yl if yc == 0 else yh, i)
                        row_base = bbase + yv * W
                        for xc in range(2):
                            g = i_off * 4 + yc * 2 + xc
                            idx_v[par, pl.ds(g * _L, _L)] = row_base + (xl if xc == 0 else xh)
                pltpu.async_copy(table_hbm.at[idx_v.at[par]], g_v.at[par], sem)

            start_gather(0)

            def p_body(p, carry2):
                par = p & 1

                @pl.when(p < _P - 1)
                def _():
                    start_gather(p + 1)

                pltpu.make_async_copy(table_hbm.at[idx_v.at[par]], g_v.at[par], sem).wait()

                wy = []
                for i_off in range(_S):
                    i = _S * p + i_off
                    wy.append((_bf16x2(_take(wloy, i)), _bf16x2(_take(whiy, i))))

                def q_body(q, carry3):
                    terms = []
                    for j_off in range(_S):
                        j = _S * q + j_off
                        wx = (_bf16x2(_take(wlox, j)), _bf16x2(_take(whix, j)))
                        for i_off in range(_S):
                            for yc in range(2):
                                for xc in range(2):
                                    w32 = wy[i_off][yc] * wx[xc]
                                    row = (i_off * 4 + yc * 2 + xc) * _L + j
                                    terms.append((w32, row))
                    for k in range(CW // _L):
                        prods = [w32 * plsc.bitcast(g_v[par, row, pl.ds(k * _L, _L)],
                                                    jnp.bfloat16)
                                 for (w32, row) in terms]
                        while len(prods) > 1:
                            prods = [prods[z] + prods[z + 1]
                                     for z in range(0, len(prods), 2)]
                        o_v[p * _P + q, pl.ds(k * _L, _L)] = plsc.bitcast(prods[0], jnp.int32)
                    return carry3

                lax.fori_loop(0, _P, q_body, None)
                return carry2

            lax.fori_loop(0, _P, p_body, None)
            pltpu.sync_copy(o_v, out_hbm.at[wid * BPW + bi])
            return carry

        lax.fori_loop(0, BPW, box_body, None)

    return roi_sc


def _rne_bf16_bits(x):
    b = lax.bitcast_convert_type(x, jnp.uint32)
    b = b + jnp.uint32(0x7FFF) + ((b >> 16) & jnp.uint32(1))
    return b & jnp.uint32(0xFFFF0000)


def kernel(input, boxes):
    N, C, H, W = input.shape
    M = boxes.shape[0]
    lo = _rne_bf16_bits(input[:, :C // 2]) >> 16
    hi = _rne_bf16_bits(input[:, C // 2:])
    words = (lo | hi).astype(jnp.int32)
    table = jnp.transpose(words, (0, 2, 3, 1)).reshape(N * H * W, C // 2)
    roi_sc = _make_roi_kernel(N, C, H, W, M)
    out = roi_sc(table, jnp.transpose(boxes).reshape(-1))
    ow = lax.bitcast_convert_type(jnp.transpose(out, (0, 2, 1)), jnp.uint32)
    lo_f = lax.bitcast_convert_type(ow << 16, jnp.float32)
    hi_f = lax.bitcast_convert_type(ow & jnp.uint32(0xFFFF0000), jnp.float32)
    res = jnp.concatenate([lo_f, hi_f], axis=1)
    return res.reshape(M, C, _P, _P)

# --- scband reference (transcript-rebuilt; emitter-appended) ---
"""Pipeline reference for scband-ro-ialigning-layer-72997264163096 (READ-ONLY COPY).

The authoritative reference and input builder live on the scoring server;
editing this copy changes nothing except your own understanding.
"""

import jax, jax.numpy as jnp
import numpy as np

OUTPUT_SIZE = 7
SPATIAL_SCALE = 0.25
SAMPLING_RATIO = 2
ALIGNED = True


def setup_inputs(seed: int = 0) -> dict:
    key = jax.random.key(seed)
    k1, k2, k3, k4 = jax.random.split(key, 4)
    N, C, H, W = 4, 256, 200, 200
    M = 1024
    inp = jax.random.normal(k1, (N, C, H, W), dtype=jnp.float32)
    img_h = H / SPATIAL_SCALE
    img_w = W / SPATIAL_SCALE
    b = jax.random.randint(k2, (M,), 0, N).astype(jnp.float32)
    xy1 = jax.random.uniform(k3, (M, 2), dtype=jnp.float32) * jnp.array([img_w * 0.8, img_h * 0.8], dtype=jnp.float32)
    wh = 16.0 + jax.random.uniform(k4, (M, 2), dtype=jnp.float32) * jnp.array([img_w * 0.2 - 16.0, img_h * 0.2 - 16.0], dtype=jnp.float32)
    boxes = jnp.concatenate([b[:, None], xy1[:, 0:1], xy1[:, 1:2], xy1[:, 0:1] + wh[:, 0:1], xy1[:, 1:2] + wh[:, 1:2]], axis=1)
    return {"input": inp, "boxes": boxes}


def _prep(v, L):
    # torchvision bilinear_interpolate corner / fraction logic, vectorized
    valid = (v >= -1.0) & (v <= float(L))
    v = jnp.maximum(v, 0.0)
    low = jnp.minimum(jnp.floor(v).astype(jnp.int32), L - 1)
    high = jnp.minimum(low + 1, L - 1)
    frac = jnp.where(low >= L - 1, 0.0, v - low.astype(v.dtype))
    return valid, low, high, frac


def roi_align(input, boxes):
    N, C, H, W = input.shape
    M = boxes.shape[0]
    P = OUTPUT_SIZE
    S = SAMPLING_RATIO
    offset = 0.5 if ALIGNED else 0.0
    b = boxes[:, 0].astype(jnp.int32)
    x1 = boxes[:, 1] * SPATIAL_SCALE - offset
    y1 = boxes[:, 2] * SPATIAL_SCALE - offset
    x2 = boxes[:, 3] * SPATIAL_SCALE - offset
    y2 = boxes[:, 4] * SPATIAL_SCALE - offset
    roi_w = x2 - x1
    roi_h = y2 - y1
    if not ALIGNED:
        roi_w = jnp.maximum(roi_w, 1.0)
        roi_h = jnp.maximum(roi_h, 1.0)
    bin_h = roi_h / P
    bin_w = roi_w / P
    t = jnp.arange(P * S)
    pb = (t // S).astype(jnp.float32)  # pooled bin index
    ig = (t % S).astype(jnp.float32)   # intra-bin grid index
    ys = y1[:, None] + pb[None, :] * bin_h[:, None] + (ig[None, :] + 0.5) * (bin_h[:, None] / S)
    xs = x1[:, None] + pb[None, :] * bin_w[:, None] + (ig[None, :] + 0.5) * (bin_w[:, None] / S)
    vy, yl, yh, ly = _prep(ys, H)
    vx, xl, xh, lx = _prep(xs, W)
    hy = 1.0 - ly
    hx = 1.0 - lx
    inp_t = jnp.transpose(input, (0, 2, 3, 1))  # [N,H,W,C]
    bb = b[:, None, None]

    def g(yy, xx):
        return inp_t[bb, yy[:, :, None], xx[:, None, :]]  # [M,K,K,C]

    v11 = g(yl, xl)
    v12 = g(yl, xh)
    v21 = g(yh, xl)
    v22 = g(yh, xh)
    val = (hy[:, :, None, None] * hx[:, None, :, None] * v11
           + hy[:, :, None, None] * lx[:, None, :, None] * v12
           + ly[:, :, None, None] * hx[:, None, :, None] * v21
           + ly[:, :, None, None] * lx[:, None, :, None] * v22)
    mask = (vy[:, :, None] & vx[:, None, :])[:, :, :, None]
    val = jnp.where(mask, val, 0.0)
    val = val.reshape(M, P, S, P, S, C).mean(axis=(2, 4))  # average over sampling grid
    return jnp.transpose(val, (0, 3, 1, 2))  # [M,C,P,P]


def reference(input, boxes):
    return roi_align(input, boxes)

if __name__ == "__main__":
    import jax
    _d = setup_inputs()
    print(jax.jit(kernel)(*tuple(_d.values())))

</pallas_src>

<mosaic_0001>
#map = affine_map<(d0, d1) -> (0, 0)>
#map1 = affine_map<(d0, d1) -> (0)>
#map2 = affine_map<(d0, d1) -> (0, 0, 0)>
module attributes {stable_mosaic.version = 14 : i64} {
  func.func @roi_sc(%arg0: i32, %arg1: i32, %arg2: memref<160000x128xi32, #tpu.memory_space<hbm>>, %arg3: memref<5120xf32, #tpu.memory_space<hbm>>, %arg4: memref<1024x49x128xi32, #tpu.memory_space<hbm>>, %arg5: memref<160xf32, #tpu.memory_space<vmem>>, %arg6: memref<2x128xi32, #tpu.memory_space<vmem>>, %arg7: memref<2x128x128xi32, #tpu.memory_space<vmem>>, %arg8: memref<49x128xi32, #tpu.memory_space<vmem>>, %arg9: memref<!tpu.dma_semaphore, #tpu.memory_space<semaphore_mem>>) attributes {dimension_semantics = [#tpu.dimension_semantics<core_parallel>, #tpu.dimension_semantics<subcore_parallel>], iteration_bounds = array<i64: 2, 16>, scalar_prefetch = 0 : i64, scratch_operands = 5 : i64, tpu.core_type = #tpu.core_type<sc_vector_subcore>, window_params = [{transform_indices = #map}, {transform_indices = #map1}, {transform_indices = #map2}]} {
    %mul3A = arith.constant 2 : i32
    %mul3A_0 = arith.muli %arg1, %mul3A : i32
    %add3A = arith.addi %mul3A_0, %arg0 : i32
    %mul3A_1 = arith.constant 32 : i32
    %mul3A_2 = arith.muli %add3A, %mul3A_1 : i32
    %add3A_3 = arith.constant 0 : i32
    %add3A_4 = arith.addi %add3A_3, %mul3A_2 : i32
    "tpu.region"() ({
      %run_scoped3A = tpu.sem_alloc : memref<!tpu.dma_semaphore, #tpu.memory_space<semaphore_mem>>
      %dma_start3A = arith.constant 0 : i32
      %dma_start3A_25 = tpu.memref_slice %arg5[%dma_start3A] : memref<160xf32, #tpu.memory_space<vmem>> -> memref<32xf32, #tpu.memory_space<vmem>>
      %dma_start3A_26 = tpu.memref_slice %arg3[%add3A_4] : memref<5120xf32, #tpu.memory_space<hbm>> -> memref<32xf32, #tpu.memory_space<hbm>>
      %dma_start3A_27 = arith.constant 0 : i32
      %dma_start3A_28 = tpu.memref_slice %arg5[%dma_start3A_27] : memref<160xf32, #tpu.memory_space<vmem>> -> memref<32xf32, #tpu.memory_space<vmem>>
      %dma_start3A_29 = tpu.memref_slice %arg3[%add3A_4] : memref<5120xf32, #tpu.memory_space<hbm>> -> memref<32xf32, #tpu.memory_space<hbm>>
      tpu.enqueue_dma source(%dma_start3A_29 : memref<32xf32, #tpu.memory_space<hbm>>) target(%dma_start3A_28 : memref<32xf32, #tpu.memory_space<vmem>>) target_semaphore(%run_scoped3A : memref<!tpu.dma_semaphore, #tpu.memory_space<semaphore_mem>>)
      %dma_wait3A = arith.constant 0 : i32
      %dma_wait3A_30 = tpu.memref_slice %arg5[%dma_wait3A] : memref<160xf32, #tpu.memory_space<vmem>> -> memref<32xf32, #tpu.memory_space<vmem>>
      %dma_wait3A_31 = tpu.memref_slice %arg3[%add3A_4] : memref<5120xf32, #tpu.memory_space<hbm>> -> memref<32xf32, #tpu.memory_space<hbm>>
      %dma_wait3A_32 = arith.constant 0 : i32
      %dma_wait3A_33 = tpu.memref_slice %arg5[%dma_wait3A_32] : memref<160xf32, #tpu.memory_space<vmem>> -> memref<32xf32, #tpu.memory_space<vmem>>
      %dma_wait3A_34 = tpu.memref_slice %arg3[%add3A_4] : memref<5120xf32, #tpu.memory_space<hbm>> -> memref<32xf32, #tpu.memory_space<hbm>>
      tpu.wait_dma2 semaphore(%run_scoped3A : memref<!tpu.dma_semaphore, #tpu.memory_space<semaphore_mem>>) src(%dma_wait3A_34 : memref<32xf32, #tpu.memory_space<hbm>>) dst(%dma_wait3A_33 : memref<32xf32, #tpu.memory_space<vmem>>)
      tpu.yield
    }) : () -> ()
    %mul3A_5 = arith.constant 32 : i32
    %mul3A_6 = arith.muli %add3A, %mul3A_5 : i32
    %add3A_7 = arith.constant 1024 : i32
    %add3A_8 = arith.addi %add3A_7, %mul3A_6 : i32
    "tpu.region"() ({
      %run_scoped3A = tpu.sem_alloc : memref<!tpu.dma_semaphore, #tpu.memory_space<semaphore_mem>>
      %dma_start3A = arith.constant 32 : i32
      %dma_start3A_25 = tpu.memref_slice %arg5[%dma_start3A] : memref<160xf32, #tpu.memory_space<vmem>> -> memref<32xf32, #tpu.memory_space<vmem>>
      %dma_start3A_26 = tpu.memref_slice %arg3[%add3A_8] : memref<5120xf32, #tpu.memory_space<hbm>> -> memref<32xf32, #tpu.memory_space<hbm>>
      %dma_start3A_27 = arith.constant 32 : i32
      %dma_start3A_28 = tpu.memref_slice %arg5[%dma_start3A_27] : memref<160xf32, #tpu.memory_space<vmem>> -> memref<32xf32, #tpu.memory_space<vmem>>
      %dma_start3A_29 = tpu.memref_slice %arg3[%add3A_8] : memref<5120xf32, #tpu.memory_space<hbm>> -> memref<32xf32, #tpu.memory_space<hbm>>
      tpu.enqueue_dma source(%dma_start3A_29 : memref<32xf32, #tpu.memory_space<hbm>>) target(%dma_start3A_28 : memref<32xf32, #tpu.memory_space<vmem>>) target_semaphore(%run_scoped3A : memref<!tpu.dma_semaphore, #tpu.memory_space<semaphore_mem>>)
      %dma_wait3A = arith.constant 32 : i32
      %dma_wait3A_30 = tpu.memref_slice %arg5[%dma_wait3A] : memref<160xf32, #tpu.memory_space<vmem>> -> memref<32xf32, #tpu.memory_space<vmem>>
      %dma_wait3A_31 = tpu.memref_slice %arg3[%add3A_8] : memref<5120xf32, #tpu.memory_space<hbm>> -> memref<32xf32, #tpu.memory_space<hbm>>
      %dma_wait3A_32 = arith.constant 32 : i32
      %dma_wait3A_33 = tpu.memref_slice %arg5[%dma_wait3A_32] : memref<160xf32, #tpu.memory_space<vmem>> -> memref<32xf32, #tpu.memory_space<vmem>>
      %dma_wait3A_34 = tpu.memref_slice %arg3[%add3A_8] : memref<5120xf32, #tpu.memory_space<hbm>> -> memref<32xf32, #tpu.memory_space<hbm>>
      tpu.wait_dma2 semaphore(%run_scoped3A : memref<!tpu.dma_semaphore, #tpu.memory_space<semaphore_mem>>) src(%dma_wait3A_34 : memref<32xf32, #tpu.memory_space<hbm>>) dst(%dma_wait3A_33 : memref<32xf32, #tpu.memory_space<vmem>>)
      tpu.yield
    }) : () -> ()
    %mul3A_9 = arith.constant 32 : i32
    %mul3A_10 = arith.muli %add3A, %mul3A_9 : i32
    %add3A_11 = arith.constant 2048 : i32
    %add3A_12 = arith.addi %add3A_11, %mul3A_10 : i32
    "tpu.region"() ({
      %run_scoped3A = tpu.sem_alloc : memref<!tpu.dma_semaphore, #tpu.memory_space<semaphore_mem>>
      %dma_start3A = arith.constant 64 : i32
      %dma_start3A_25 = tpu.memref_slice %arg5[%dma_start3A] : memref<160xf32, #tpu.memory_space<vmem>> -> memref<32xf32, #tpu.memory_space<vmem>>
      %dma_start3A_26 = tpu.memref_slice %arg3[%add3A_12] : memref<5120xf32, #tpu.memory_space<hbm>> -> memref<32xf32, #tpu.memory_space<hbm>>
      %dma_start3A_27 = arith.constant 64 : i32
      %dma_start3A_28 = tpu.memref_slice %arg5[%dma_start3A_27] : memref<160xf32, #tpu.memory_space<vmem>> -> memref<32xf32, #tpu.memory_space<vmem>>
      %dma_start3A_29 = tpu.memref_slice %arg3[%add3A_12] : memref<5120xf32, #tpu.memory_space<hbm>> -> memref<32xf32, #tpu.memory_space<hbm>>
      tpu.enqueue_dma source(%dma_start3A_29 : memref<32xf32, #tpu.memory_space<hbm>>) target(%dma_start3A_28 : memref<32xf32, #tpu.memory_space<vmem>>) target_semaphore(%run_scoped3A : memref<!tpu.dma_semaphore, #tpu.memory_space<semaphore_mem>>)
      %dma_wait3A = arith.constant 64 : i32
      %dma_wait3A_30 = tpu.memref_slice %arg5[%dma_wait3A] : memref<160xf32, #tpu.memory_space<vmem>> -> memref<32xf32, #tpu.memory_space<vmem>>
      %dma_wait3A_31 = tpu.memref_slice %arg3[%add3A_12] : memref<5120xf32, #tpu.memory_space<hbm>> -> memref<32xf32, #tpu.memory_space<hbm>>
      %dma_wait3A_32 = arith.constant 64 : i32
      %dma_wait3A_33 = tpu.memref_slice %arg5[%dma_wait3A_32] : memref<160xf32, #tpu.memory_space<vmem>> -> memref<32xf32, #tpu.memory_space<vmem>>
      %dma_wait3A_34 = tpu.memref_slice %arg3[%add3A_12] : memref<5120xf32, #tpu.memory_space<hbm>> -> memref<32xf32, #tpu.memory_space<hbm>>
      tpu.wait_dma2 semaphore(%run_scoped3A : memref<!tpu.dma_semaphore, #tpu.memory_space<semaphore_mem>>) src(%dma_wait3A_34 : memref<32xf32, #tpu.memory_space<hbm>>) dst(%dma_wait3A_33 : memref<32xf32, #tpu.memory_space<vmem>>)
      tpu.yield
    }) : () -> ()
    %mul3A_13 = arith.constant 32 : i32
    %mul3A_14 = arith.muli %add3A, %mul3A_13 : i32
    %add3A_15 = arith.constant 3072 : i32
    %add3A_16 = arith.addi %add3A_15, %mul3A_14 : i32
    "tpu.region"() ({
      %run_scoped3A = tpu.sem_alloc : memref<!tpu.dma_semaphore, #tpu.memory_space<semaphore_mem>>
      %dma_start3A = arith.constant 96 : i32
      %dma_start3A_25 = tpu.memref_slice %arg5[%dma_start3A] : memref<160xf32, #tpu.memory_space<vmem>> -> memref<32xf32, #tpu.memory_space<vmem>>
      %dma_start3A_26 = tpu.memref_slice %arg3[%add3A_16] : memref<5120xf32, #tpu.memory_space<hbm>> -> memref<32xf32, #tpu.memory_space<hbm>>
      %dma_start3A_27 = arith.constant 96 : i32
      %dma_start3A_28 = tpu.memref_slice %arg5[%dma_start3A_27] : memref<160xf32, #tpu.memory_space<vmem>> -> memref<32xf32, #tpu.memory_space<vmem>>
      %dma_start3A_29 = tpu.memref_slice %arg3[%add3A_16] : memref<5120xf32, #tpu.memory_space<hbm>> -> memref<32xf32, #tpu.memory_space<hbm>>
      tpu.enqueue_dma source(%dma_start3A_29 : memref<32xf32, #tpu.memory_space<hbm>>) target(%dma_start3A_28 : memref<32xf32, #tpu.memory_space<vmem>>) target_semaphore(%run_scoped3A : memref<!tpu.dma_semaphore, #tpu.memory_space<semaphore_mem>>)
      %dma_wait3A = arith.constant 96 : i32
      %dma_wait3A_30 = tpu.memref_slice %arg5[%dma_wait3A] : memref<160xf32, #tpu.memory_space<vmem>> -> memref<32xf32, #tpu.memory_space<vmem>>
      %dma_wait3A_31 = tpu.memref_slice %arg3[%add3A_16] : memref<5120xf32, #tpu.memory_space<hbm>> -> memref<32xf32, #tpu.memory_space<hbm>>
      %dma_wait3A_32 = arith.constant 96 : i32
      %dma_wait3A_33 = tpu.memref_slice %arg5[%dma_wait3A_32] : memref<160xf32, #tpu.memory_space<vmem>> -> memref<32xf32, #tpu.memory_space<vmem>>
      %dma_wait3A_34 = tpu.memref_slice %arg3[%add3A_16] : memref<5120xf32, #tpu.memory_space<hbm>> -> memref<32xf32, #tpu.memory_space<hbm>>
      tpu.wait_dma2 semaphore(%run_scoped3A : memref<!tpu.dma_semaphore, #tpu.memory_space<semaphore_mem>>) src(%dma_wait3A_34 : memref<32xf32, #tpu.memory_space<hbm>>) dst(%dma_wait3A_33 : memref<32xf32, #tpu.memory_space<vmem>>)
      tpu.yield
    }) : () -> ()
    %mul3A_17 = arith.constant 32 : i32
    %mul3A_18 = arith.muli %add3A, %mul3A_17 : i32
    %add3A_19 = arith.constant 4096 : i32
    %add3A_20 = arith.addi %add3A_19, %mul3A_18 : i32
    "tpu.region"() ({
      %run_scoped3A = tpu.sem_alloc : memref<!tpu.dma_semaphore, #tpu.memory_space<semaphore_mem>>
      %dma_start3A = arith.constant 128 : i32
      %dma_start3A_25 = tpu.memref_slice %arg5[%dma_start3A] : memref<160xf32, #tpu.memory_space<vmem>> -> memref<32xf32, #tpu.memory_space<vmem>>
      %dma_start3A_26 = tpu.memref_slice %arg3[%add3A_20] : memref<5120xf32, #tpu.memory_space<hbm>> -> memref<32xf32, #tpu.memory_space<hbm>>
      %dma_start3A_27 = arith.constant 128 : i32
      %dma_start3A_28 = tpu.memref_slice %arg5[%dma_start3A_27] : memref<160xf32, #tpu.memory_space<vmem>> -> memref<32xf32, #tpu.memory_space<vmem>>
      %dma_start3A_29 = tpu.memref_slice %arg3[%add3A_20] : memref<5120xf32, #tpu.memory_space<hbm>> -> memref<32xf32, #tpu.memory_space<hbm>>
      tpu.enqueue_dma source(%dma_start3A_29 : memref<32xf32, #tpu.memory_space<hbm>>) target(%dma_start3A_28 : memref<32xf32, #tpu.memory_space<vmem>>) target_semaphore(%run_scoped3A : memref<!tpu.dma_semaphore, #tpu.memory_space<semaphore_mem>>)
      %dma_wait3A = arith.constant 128 : i32
      %dma_wait3A_30 = tpu.memref_slice %arg5[%dma_wait3A] : memref<160xf32, #tpu.memory_space<vmem>> -> memref<32xf32, #tpu.memory_space<vmem>>
      %dma_wait3A_31 = tpu.memref_slice %arg3[%add3A_20] : memref<5120xf32, #tpu.memory_space<hbm>> -> memref<32xf32, #tpu.memory_space<hbm>>
      %dma_wait3A_32 = arith.constant 128 : i32
      %dma_wait3A_33 = tpu.memref_slice %arg5[%dma_wait3A_32] : memref<160xf32, #tpu.memory_space<vmem>> -> memref<32xf32, #tpu.memory_space<vmem>>
      %dma_wait3A_34 = tpu.memref_slice %arg3[%add3A_20] : memref<5120xf32, #tpu.memory_space<hbm>> -> memref<32xf32, #tpu.memory_space<hbm>>
      tpu.wait_dma2 semaphore(%run_scoped3A : memref<!tpu.dma_semaphore, #tpu.memory_space<semaphore_mem>>) src(%dma_wait3A_34 : memref<32xf32, #tpu.memory_space<hbm>>) dst(%dma_wait3A_33 : memref<32xf32, #tpu.memory_space<vmem>>)
      tpu.yield
    }) : () -> ()
    %scan3A = arith.constant 0 : i32
    %scan3A_21 = arith.constant 32 : i32
    %scan3A_22 = arith.addi %scan3A, %scan3A_21 : i32
    %scan3A_23 = arith.constant 1 : i32
    scf.for %scan3A_25 = %scan3A to %scan3A_22 step %scan3A_23  : i32 {
      %jit3A = arith.constant 16 : i32
      %div3A = arith.divsi %scan3A_25, %jit3A : i32
      %sign3A = arith.constant 0 : i32
      %sign3A_26 = arith.cmpi sgt, %scan3A_25, %sign3A : i32
      %sign3A_27 = arith.extui %sign3A_26 : i1 to i32
      %sign3A_28 = arith.constant 0 : i32
      %sign3A_29 = arith.cmpi slt, %scan3A_25, %sign3A_28 : i32
      %sign3A_30 = arith.extui %sign3A_29 : i1 to i32
      %sign3A_31 = arith.subi %sign3A_27, %sign3A_30 : i32
      %sign3A_32 = arith.constant 0 : i32
      %sign3A_33 = arith.cmpi sgt, %jit3A, %sign3A_32 : i32
      %sign3A_34 = arith.extui %sign3A_33 : i1 to i32
      %sign3A_35 = arith.constant 0 : i32
      %sign3A_36 = arith.cmpi slt, %jit3A, %sign3A_35 : i32
      %sign3A_37 = arith.extui %sign3A_36 : i1 to i32
      %sign3A_38 = arith.subi %sign3A_34, %sign3A_37 : i32
      %ne3A = arith.cmpi ne, %sign3A_31, %sign3A_38 : i32
      %rem3A = arith.remsi %scan3A_25, %jit3A : i32
      %ne3A_39 = arith.constant 0 : i32
      %ne3A_40 = arith.cmpi ne, %rem3A, %ne3A_39 : i32
      %and3A = arith.andi %ne3A, %ne3A_40 : i1
      %sub3A = arith.constant 1 : i32
      %sub3A_41 = arith.subi %div3A, %sub3A : i32
      %select_n3A = arith.select %and3A, %sub3A_41, %div3A : i32
      %mul3A_42 = arith.constant 16 : i32
      %mul3A_43 = arith.muli %select_n3A, %mul3A_42 : i32
      %sub3A_44 = arith.subi %scan3A_25, %mul3A_43 : i32
      %add3A_45 = arith.constant 0 : i32
      %add3A_46 = arith.addi %add3A_45, %mul3A_43 : i32
      %get3A = arith.index_cast %add3A_46 : i32 to index
      %get3A_47 = tpu.vector_load %arg5[%get3A] {strides = array<i32>} : memref<160xf32, #tpu.memory_space<vmem>>, vector<16xf32>,
      %broadcast_in_dim3A = vector.broadcast %sub3A_44 : i32 to vector<16x1xi32>
      %gather3A = vector.shape_cast %broadcast_in_dim3A : vector<16x1xi32> to vector<16xi32>
      %gather3A_48 = tpu.dynamic_gather %get3A_47[%gather3A] in [0] : vector<16xf32>, vector<16xi32> -> vector<16xf32>
      %add3A_49 = arith.constant 32 : i32
      %add3A_50 = arith.addi %add3A_49, %mul3A_43 : i32
      %get3A_51 = arith.index_cast %add3A_50 : i32 to index
      %get3A_52 = tpu.vector_load %arg5[%get3A_51] {strides = array<i32>} : memref<160xf32, #tpu.memory_space<vmem>>, vector<16xf32>,
      %broadcast_in_dim3A_53 = vector.broadcast %sub3A_44 : i32 to vector<16x1xi32>
      %gather3A_54 = vector.shape_cast %broadcast_in_dim3A_53 : vector<16x1xi32> to vector<16xi32>
      %gather3A_55 = tpu.dynamic_gather %get3A_52[%gather3A_54] in [0] : vector<16xf32>, vector<16xi32> -> vector<16xf32>
      %mul3A_56 = arith.constant 2.500000e-01 : f32
      %mul3A_57 = vector.broadcast %mul3A_56 : f32 to vector<16xf32>
      %mul3A_58 = arith.mulf %gather3A_55, %mul3A_57 : vector<16xf32>
      %sub3A_59 = arith.constant 5.000000e-01 : f32
      %sub3A_60 = vector.broadcast %sub3A_59 : f32 to vector<16xf32>
      %sub3A_61 = arith.subf %mul3A_58, %sub3A_60 : vector<16xf32>
      %add3A_62 = arith.constant 64 : i32
      %add3A_63 = arith.addi %add3A_62, %mul3A_43 : i32
      %get3A_64 = arith.index_cast %add3A_63 : i32 to index
      %get3A_65 = tpu.vector_load %arg5[%get3A_64] {strides = array<i32>} : memref<160xf32, #tpu.memory_space<vmem>>, vector<16xf32>,
      %broadcast_in_dim3A_66 = vector.broadcast %sub3A_44 : i32 to vector<16x1xi32>
      %gather3A_67 = vector.shape_cast %broadcast_in_dim3A_66 : vector<16x1xi32> to vector<16xi32>
      %gather3A_68 = tpu.dynamic_gather %get3A_65[%gather3A_67] in [0] : vector<16xf32>, vector<16xi32> -> vector<16xf32>
      %mul3A_69 = arith.constant 2.500000e-01 : f32
      %mul3A_70 = vector.broadcast %mul3A_69 : f32 to vector<16xf32>
      %mul3A_71 = arith.mulf %gather3A_68, %mul3A_70 : vector<16xf32>
      %sub3A_72 = arith.constant 5.000000e-01 : f32
      %sub3A_73 = vector.broadcast %sub3A_72 : f32 to vector<16xf32>
      %sub3A_74 = arith.subf %mul3A_71, %sub3A_73 : vector<16xf32>
      %add3A_75 = arith.constant 96 : i32
      %add3A_76 = arith.addi %add3A_75, %mul3A_43 : i32
      %get3A_77 = arith.index_cast %add3A_76 : i32 to index
      %get3A_78 = tpu.vector_load %arg5[%get3A_77] {strides = array<i32>} : memref<160xf32, #tpu.memory_space<vmem>>, vector<16xf32>,
      %broadcast_in_dim3A_79 = vector.broadcast %sub3A_44 : i32 to vector<16x1xi32>
      %gather3A_80 = vector.shape_cast %broadcast_in_dim3A_79 : vector<16x1xi32> to vector<16xi32>
      %gather3A_81 = tpu.dynamic_gather %get3A_78[%gather3A_80] in [0] : vector<16xf32>, vector<16xi32> -> vector<16xf32>
      %mul3A_82 = arith.constant 2.500000e-01 : f32
      %mul3A_83 = vector.broadcast %mul3A_82 : f32 to vector<16xf32>
      %mul3A_84 = arith.mulf %gather3A_81, %mul3A_83 : vector<16xf32>
      %sub3A_85 = arith.constant 5.000000e-01 : f32
      %sub3A_86 = vector.broadcast %sub3A_85 : f32 to vector<16xf32>
      %sub3A_87 = arith.subf %mul3A_84, %sub3A_86 : vector<16xf32>
      %add3A_88 = arith.constant 128 : i32
      %add3A_89 = arith.addi %add3A_88, %mul3A_43 : i32
      %get3A_90 = arith.index_cast %add3A_89 : i32 to index
      %get3A_91 = tpu.vector_load %arg5[%get3A_90] {strides = array<i32>} : memref<160xf32, #tpu.memory_space<vmem>>, vector<16xf32>,
      %broadcast_in_dim3A_92 = vector.broadcast %sub3A_44 : i32 to vector<16x1xi32>
      %gather3A_93 = vector.shape_cast %broadcast_in_dim3A_92 : vector<16x1xi32> to vector<16xi32>
      %gather3A_94 = tpu.dynamic_gather %get3A_91[%gather3A_93] in [0] : vector<16xf32>, vector<16xi32> -> vector<16xf32>
      %mul3A_95 = arith.constant 2.500000e-01 : f32
      %mul3A_96 = vector.broadcast %mul3A_95 : f32 to vector<16xf32>
      %mul3A_97 = arith.mulf %gather3A_94, %mul3A_96 : vector<16xf32>
      %sub3A_98 = arith.constant 5.000000e-01 : f32
      %sub3A_99 = vector.broadcast %sub3A_98 : f32 to vector<16xf32>
      %sub3A_100 = arith.subf %mul3A_97, %sub3A_99 : vector<16xf32>
      %sub3A_101 = arith.subf %sub3A_87, %sub3A_61 : vector<16xf32>
      %mul3A_102 = arith.constant 0.142857149 : f32
      %mul3A_103 = vector.broadcast %mul3A_102 : f32 to vector<16xf32>
      %mul3A_104 = arith.mulf %sub3A_101, %mul3A_103 : vector<16xf32>
      %sub3A_105 = arith.subf %sub3A_100, %sub3A_74 : vector<16xf32>
      %mul3A_106 = arith.constant 0.142857149 : f32
      %mul3A_107 = vector.broadcast %mul3A_106 : f32 to vector<16xf32>
      %mul3A_108 = arith.mulf %sub3A_105, %mul3A_107 : vector<16xf32>
      %iota3A = tpu.iota {dimensions = array<i32: 0>} : vector<16xi32>
      %shift_right_arithmetic3A = arith.constant 1 : i32
      %shift_right_arithmetic3A_109 = vector.broadcast %shift_right_arithmetic3A : i32 to vector<16xi32>
      %shift_right_arithmetic3A_110 = arith.shrsi %iota3A, %shift_right_arithmetic3A_109 : vector<16xi32>
      %convert_element_type3A = arith.sitofp %shift_right_arithmetic3A_110 : vector<16xi32> to vector<16xf32>
      %and3A_111 = arith.constant 1 : i32
      %and3A_112 = vector.broadcast %and3A_111 : i32 to vector<16xi32>
      %and3A_113 = arith.andi %iota3A, %and3A_112 : vector<16xi32>
      %convert_element_type3A_114 = arith.sitofp %and3A_113 : vector<16xi32> to vector<16xf32>
      %add3A_115 = arith.constant 5.000000e-01 : f32
      %add3A_116 = vector.broadcast %add3A_115 : f32 to vector<16xf32>
      %add3A_117 = arith.addf %convert_element_type3A_114, %add3A_116 : vector<16xf32>
      %mul3A_118 = arith.constant 5.000000e-01 : f32
      %mul3A_119 = vector.broadcast %mul3A_118 : f32 to vector<16xf32>
      %mul3A_120 = arith.mulf %add3A_117, %mul3A_119 : vector<16xf32>
      %add3A_121 = arith.addf %convert_element_type3A, %mul3A_120 : vector<16xf32>
      %mul3A_122 = arith.mulf %add3A_121, %mul3A_104 : vector<16xf32>
      %add3A_123 = arith.addf %sub3A_61, %mul3A_122 : vector<16xf32>
      %mul3A_124 = arith.mulf %add3A_121, %mul3A_108 : vector<16xf32>
      %add3A_125 = arith.addf %sub3A_74, %mul3A_124 : vector<16xf32>
      %ge3A = arith.constant -1.000000e+00 : f32
      %ge3A_126 = vector.broadcast %ge3A : f32 to vector<16xf32>
      %ge3A_127 = arith.cmpf oge, %add3A_125, %ge3A_126 : vector<16xf32>
      %le3A = arith.constant 2.000000e+02 : f32
      %le3A_128 = vector.broadcast %le3A : f32 to vector<16xf32>
      %le3A_129 = arith.cmpf ole, %add3A_125, %le3A_128 : vector<16xf32>
      %and3A_130 = arith.andi %ge3A_127, %le3A_129 : vector<16xi1>
      %max3A = arith.constant 0.000000e+00 : f32
      %max3A_131 = vector.broadcast %max3A : f32 to vector<16xf32>
      %max3A_132 = arith.maximumf %add3A_125, %max3A_131 : vector<16xf32>
      %convert_element_type3A_133 = arith.fptosi %max3A_132 : vector<16xf32> to vector<16xi32>
      %min3A = arith.constant 199 : i32
      %min3A_134 = vector.broadcast %min3A : i32 to vector<16xi32>
      %min3A_135 = arith.minsi %convert_element_type3A_133, %min3A_134 : vector<16xi32>
      %add3A_136 = arith.constant 1 : i32
      %add3A_137 = vector.broadcast %add3A_136 : i32 to vector<16xi32>
      %add3A_138 = arith.addi %min3A_135, %add3A_137 : vector<16xi32>
      %min3A_139 = arith.constant 199 : i32
      %min3A_140 = vector.broadcast %min3A_139 : i32 to vector<16xi32>
      %min3A_141 = arith.minsi %add3A_138, %min3A_140 : vector<16xi32>
      %ge3A_142 = arith.constant 199 : i32
      %ge3A_143 = vector.broadcast %ge3A_142 : i32 to vector<16xi32>
      %ge3A_144 = arith.cmpi sge, %min3A_135, %ge3A_143 : vector<16xi32>
      %convert_element_type3A_145 = arith.sitofp %min3A_135 : vector<16xi32> to vector<16xf32>
      %sub3A_146 = arith.subf %max3A_132, %convert_element_type3A_145 : vector<16xf32>
      %jit3A_147 = arith.constant 0.000000e+00 : f32
      %broadcast_in_dim3A_148 = vector.broadcast %jit3A_147 : f32 to vector<16xf32>
      %select_n3A_149 = arith.select %ge3A_144, %broadcast_in_dim3A_148, %sub3A_146 : vector<16xi1>, vector<16xf32>
      %sub3A_150 = arith.constant 1.000000e+00 : f32
      %sub3A_151 = vector.broadcast %sub3A_150 : f32 to vector<16xf32>
      %sub3A_152 = arith.subf %sub3A_151, %select_n3A_149 : vector<16xf32>
      %mul3A_153 = arith.constant 5.000000e-01 : f32
      %mul3A_154 = vector.broadcast %mul3A_153 : f32 to vector<16xf32>
      %mul3A_155 = arith.mulf %sub3A_152, %mul3A_154 : vector<16xf32>
      %jit3A_156 = arith.constant 0.000000e+00 : f32
      %broadcast_in_dim3A_157 = vector.broadcast %jit3A_156 : f32 to vector<16xf32>
      %select_n3A_158 = arith.select %and3A_130, %mul3A_155, %broadcast_in_dim3A_157 : vector<16xi1>, vector<16xf32>
      %mul3A_159 = arith.constant 5.000000e-01 : f32
      %mul3A_160 = vector.broadcast %mul3A_159 : f32 to vector<16xf32>
      %mul3A_161 = arith.mulf %select_n3A_149, %mul3A_160 : vector<16xf32>
      %jit3A_162 = arith.constant 0.000000e+00 : f32
      %broadcast_in_dim3A_163 = vector.broadcast %jit3A_162 : f32 to vector<16xf32>
      %select_n3A_164 = arith.select %and3A_130, %mul3A_161, %broadcast_in_dim3A_163 : vector<16xi1>, vector<16xf32>
      %ge3A_165 = arith.constant -1.000000e+00 : f32
      %ge3A_166 = vector.broadcast %ge3A_165 : f32 to vector<16xf32>
      %ge3A_167 = arith.cmpf oge, %add3A_123, %ge3A_166 : vector<16xf32>
      %le3A_168 = arith.constant 2.000000e+02 : f32
      %le3A_169 = vector.broadcast %le3A_168 : f32 to vector<16xf32>
      %le3A_170 = arith.cmpf ole, %add3A_123, %le3A_169 : vector<16xf32>
      %and3A_171 = arith.andi %ge3A_167, %le3A_170 : vector<16xi1>
      %max3A_172 = arith.constant 0.000000e+00 : f32
      %max3A_173 = vector.broadcast %max3A_172 : f32 to vector<16xf32>
      %max3A_174 = arith.maximumf %add3A_123, %max3A_173 : vector<16xf32>
      %convert_element_type3A_175 = arith.fptosi %max3A_174 : vector<16xf32> to vector<16xi32>
      %min3A_176 = arith.constant 199 : i32
      %min3A_177 = vector.broadcast %min3A_176 : i32 to vector<16xi32>
      %min3A_178 = arith.minsi %convert_element_type3A_175, %min3A_177 : vector<16xi32>
      %add3A_179 = arith.constant 1 : i32
      %add3A_180 = vector.broadcast %add3A_179 : i32 to vector<16xi32>
      %add3A_181 = arith.addi %min3A_178, %add3A_180 : vector<16xi32>
      %min3A_182 = arith.constant 199 : i32
      %min3A_183 = vector.broadcast %min3A_182 : i32 to vector<16xi32>
      %min3A_184 = arith.minsi %add3A_181, %min3A_183 : vector<16xi32>
      %ge3A_185 = arith.constant 199 : i32
      %ge3A_186 = vector.broadcast %ge3A_185 : i32 to vector<16xi32>
      %ge3A_187 = arith.cmpi sge, %min3A_178, %ge3A_186 : vector<16xi32>
      %convert_element_type3A_188 = arith.sitofp %min3A_178 : vector<16xi32> to vector<16xf32>
      %sub3A_189 = arith.subf %max3A_174, %convert_element_type3A_188 : vector<16xf32>
      %jit3A_190 = arith.constant 0.000000e+00 : f32
      %broadcast_in_dim3A_191 = vector.broadcast %jit3A_190 : f32 to vector<16xf32>
      %select_n3A_192 = arith.select %ge3A_187, %broadcast_in_dim3A_191, %sub3A_189 : vector<16xi1>, vector<16xf32>
      %sub3A_193 = arith.constant 1.000000e+00 : f32
      %sub3A_194 = vector.broadcast %sub3A_193 : f32 to vector<16xf32>
      %sub3A_195 = arith.subf %sub3A_194, %select_n3A_192 : vector<16xf32>
      %mul3A_196 = arith.constant 5.000000e-01 : f32
      %mul3A_197 = vector.broadcast %mul3A_196 : f32 to vector<16xf32>
      %mul3A_198 = arith.mulf %sub3A_195, %mul3A_197 : vector<16xf32>
      %jit3A_199 = arith.constant 0.000000e+00 : f32
      %broadcast_in_dim3A_200 = vector.broadcast %jit3A_199 : f32 to vector<16xf32>
      %select_n3A_201 = arith.select %and3A_171, %mul3A_198, %broadcast_in_dim3A_200 : vector<16xi1>, vector<16xf32>
      %mul3A_202 = arith.constant 5.000000e-01 : f32
      %mul3A_203 = vector.broadcast %mul3A_202 : f32 to vector<16xf32>
      %mul3A_204 = arith.mulf %select_n3A_192, %mul3A_203 : vector<16xf32>
      %jit3A_205 = arith.constant 0.000000e+00 : f32
      %broadcast_in_dim3A_206 = vector.broadcast %jit3A_205 : f32 to vector<16xf32>
      %select_n3A_207 = arith.select %and3A_171, %mul3A_204, %broadcast_in_dim3A_206 : vector<16xi1>, vector<16xf32>
      %convert_element_type3A_208 = arith.fptosi %gather3A_48 : vector<16xf32> to vector<16xi32>
      %mul3A_209 = arith.constant 40000 : i32
      %mul3A_210 = vector.broadcast %mul3A_209 : i32 to vector<16xi32>
      %mul3A_211 = arith.muli %convert_element_type3A_208, %mul3A_210 : vector<16xi32>
      %broadcast_in_dim3A_212 = arith.constant 0 : i32
      %broadcast_in_dim3A_213 = vector.broadcast %broadcast_in_dim3A_212 : i32 to vector<16x1xi32>
      %gather3A_214 = vector.shape_cast %broadcast_in_dim3A_213 : vector<16x1xi32> to vector<16xi32>
      %gather3A_215 = tpu.dynamic_gather %min3A_135[%gather3A_214] in [0] : vector<16xi32>, vector<16xi32> -> vector<16xi32>
      %mul3A_216 = arith.constant 200 : i32
      %mul3A_217 = vector.broadcast %mul3A_216 : i32 to vector<16xi32>
      %mul3A_218 = arith.muli %gather3A_215, %mul3A_217 : vector<16xi32>
      %add3A_219 = arith.addi %mul3A_211, %mul3A_218 : vector<16xi32>
      %add3A_220 = arith.addi %add3A_219, %min3A_178 : vector<16xi32>
      %swap3A = arith.constant 0 : i32
      %swap3A_221 = arith.index_cast %swap3A : i32 to index
      %swap3A_222 = arith.constant 0 : index
      %swap3A_223 = tpu.vector_load %arg6[%swap3A_221, %swap3A_222] {strides = array<i32>} : memref<2x128xi32, #tpu.memory_space<vmem>>, vector<16xi32>,
      tpu.vector_store %arg6[%swap3A_221, %swap3A_222], %add3A_220 {strides = array<i32>} : memref<2x128xi32, #tpu.memory_space<vmem>>, vector<16xi32>,
      %add3A_224 = arith.addi %add3A_219, %min3A_184 : vector<16xi32>
      %swap3A_225 = arith.constant 0 : i32
      %swap3A_226 = arith.index_cast %swap3A_225 : i32 to index
      %swap3A_227 = arith.constant 16 : index
      %swap3A_228 = tpu.vector_load %arg6[%swap3A_226, %swap3A_227] {strides = array<i32>} : memref<2x128xi32, #tpu.memory_space<vmem>>, vector<16xi32>,
      tpu.vector_store %arg6[%swap3A_226, %swap3A_227], %add3A_224 {strides = array<i32>} : memref<2x128xi32, #tpu.memory_space<vmem>>, vector<16xi32>,
      %broadcast_in_dim3A_229 = arith.constant 0 : i32
      %broadcast_in_dim3A_230 = vector.broadcast %broadcast_in_dim3A_229 : i32 to vector<16x1xi32>
      %gather3A_231 = vector.shape_cast %broadcast_in_dim3A_230 : vector<16x1xi32> to vector<16xi32>
      %gather3A_232 = tpu.dynamic_gather %min3A_141[%gather3A_231] in [0] : vector<16xi32>, vector<16xi32> -> vector<16xi32>
      %mul3A_233 = arith.constant 200 : i32
      %mul3A_234 = vector.broadcast %mul3A_233 : i32 to vector<16xi32>
      %mul3A_235 = arith.muli %gather3A_232, %mul3A_234 : vector<16xi32>
      %add3A_236 = arith.addi %mul3A_211, %mul3A_235 : vector<16xi32>
      %add3A_237 = arith.addi %add3A_236, %min3A_178 : vector<16xi32>
      %swap3A_238 = arith.constant 0 : i32
      %swap3A_239 = arith.index_cast %swap3A_238 : i32 to index
      %swap3A_240 = arith.constant 32 : index
      %swap3A_241 = tpu.vector_load %arg6[%swap3A_239, %swap3A_240] {strides = array<i32>} : memref<2x128xi32, #tpu.memory_space<vmem>>, vector<16xi32>,
      tpu.vector_store %arg6[%swap3A_239, %swap3A_240], %add3A_237 {strides = array<i32>} : memref<2x128xi32, #tpu.memory_space<vmem>>, vector<16xi32>,
      %add3A_242 = arith.addi %add3A_236, %min3A_184 : vector<16xi32>
      %swap3A_243 = arith.constant 0 : i32
      %swap3A_244 = arith.index_cast %swap3A_243 : i32 to index
      %swap3A_245 = arith.constant 48 : index
      %swap3A_246 = tpu.vector_load %arg6[%swap3A_244, %swap3A_245] {strides = array<i32>} : memref<2x128xi32, #tpu.memory_space<vmem>>, vector<16xi32>,
      tpu.vector_store %arg6[%swap3A_244, %swap3A_245], %add3A_242 {strides = array<i32>} : memref<2x128xi32, #tpu.memory_space<vmem>>, vector<16xi32>,
      %broadcast_in_dim3A_247 = arith.constant 1 : i32
      %broadcast_in_dim3A_248 = vector.broadcast %broadcast_in_dim3A_247 : i32 to vector<16x1xi32>
      %gather3A_249 = vector.shape_cast %broadcast_in_dim3A_248 : vector<16x1xi32> to vector<16xi32>
      %gather3A_250 = tpu.dynamic_gather %min3A_135[%gather3A_249] in [0] : vector<16xi32>, vector<16xi32> -> vector<16xi32>
      %mul3A_251 = arith.constant 200 : i32
      %mul3A_252 = vector.broadcast %mul3A_251 : i32 to vector<16xi32>
      %mul3A_253 = arith.muli %gather3A_250, %mul3A_252 : vector<16xi32>
      %add3A_254 = arith.addi %mul3A_211, %mul3A_253 : vector<16xi32>
      %add3A_255 = arith.addi %add3A_254, %min3A_178 : vector<16xi32>
      %swap3A_256 = arith.constant 0 : i32
      %swap3A_257 = arith.index_cast %swap3A_256 : i32 to index
      %swap3A_258 = arith.constant 64 : index
      %swap3A_259 = tpu.vector_load %arg6[%swap3A_257, %swap3A_258] {strides = array<i32>} : memref<2x128xi32, #tpu.memory_space<vmem>>, vector<16xi32>,
      tpu.vector_store %arg6[%swap3A_257, %swap3A_258], %add3A_255 {strides = array<i32>} : memref<2x128xi32, #tpu.memory_space<vmem>>, vector<16xi32>,
      %add3A_260 = arith.addi %add3A_254, %min3A_184 : vector<16xi32>
      %swap3A_261 = arith.constant 0 : i32
      %swap3A_262 = arith.index_cast %swap3A_261 : i32 to index
      %swap3A_263 = arith.constant 80 : index
      %swap3A_264 = tpu.vector_load %arg6[%swap3A_262, %swap3A_263] {strides = array<i32>} : memref<2x128xi32, #tpu.memory_space<vmem>>, vector<16xi32>,
      tpu.vector_store %arg6[%swap3A_262, %swap3A_263], %add3A_260 {strides = array<i32>} : memref<2x128xi32, #tpu.memory_space<vmem>>, vector<16xi32>,
      %broadcast_in_dim3A_265 = arith.constant 1 : i32
      %broadcast_in_dim3A_266 = vector.broadcast %broadcast_in_dim3A_265 : i32 to vector<16x1xi32>
      %gather3A_267 = vector.shape_cast %broadcast_in_dim3A_266 : vector<16x1xi32> to vector<16xi32>
      %gather3A_268 = tpu.dynamic_gather %min3A_141[%gather3A_267] in [0] : vector<16xi32>, vector<16xi32> -> vector<16xi32>
      %mul3A_269 = arith.constant 200 : i32
      %mul3A_270 = vector.broadcast %mul3A_269 : i32 to vector<16xi32>
      %mul3A_271 = arith.muli %gather3A_268, %mul3A_270 : vector<16xi32>
      %add3A_272 = arith.addi %mul3A_211, %mul3A_271 : vector<16xi32>
      %add3A_273 = arith.addi %add3A_272, %min3A_178 : vector<16xi32>
      %swap3A_274 = arith.constant 0 : i32
      %swap3A_275 = arith.index_cast %swap3A_274 : i32 to index
      %swap3A_276 = arith.constant 96 : index
      %swap3A_277 = tpu.vector_load %arg6[%swap3A_275, %swap3A_276] {strides = array<i32>} : memref<2x128xi32, #tpu.memory_space<vmem>>, vector<16xi32>,
      tpu.vector_store %arg6[%swap3A_275, %swap3A_276], %add3A_273 {strides = array<i32>} : memref<2x128xi32, #tpu.memory_space<vmem>>, vector<16xi32>,
      %add3A_278 = arith.addi %add3A_272, %min3A_184 : vector<16xi32>
      %swap3A_279 = arith.constant 0 : i32
      %swap3A_280 = arith.index_cast %swap3A_279 : i32 to index
      %swap3A_281 = arith.constant 112 : index
      %swap3A_282 = tpu.vector_load %arg6[%swap3A_280, %swap3A_281] {strides = array<i32>} : memref<2x128xi32, #tpu.memory_space<vmem>>, vector<16xi32>,
      tpu.vector_store %arg6[%swap3A_280, %swap3A_281], %add3A_278 {strides = array<i32>} : memref<2x128xi32, #tpu.memory_space<vmem>>, vector<16xi32>,
      %dma_start3A = arith.constant 0 : i32
      %dma_start3A_283 = arith.constant 0 : i32
      %dma_start3A_284 = arith.constant 0 : i32
      %dma_start3A_285 = arith.constant 0 : i32
      %dma_start3A_286 = tpu.memref_slice %arg7[%dma_start3A_283, %dma_start3A_284, %dma_start3A_285] : memref<2x128x128xi32, #tpu.memory_space<vmem>> -> memref<1x128x128xi32, #tpu.memory_space<vmem>>
      %dma_start3A_287 = tpu.memref_squeeze %dma_start3A_286 : memref<1x128x128xi32, #tpu.memory_space<vmem>> -> memref<128x128xi32, #tpu.memory_space<vmem>>
      %dma_start3A_288 = arith.constant 0 : i32
      %dma_start3A_289 = tpu.memref_slice %arg6[%dma_start3A, %dma_start3A_288] : memref<2x128xi32, #tpu.memory_space<vmem>> -> memref<1x128xi32, #tpu.memory_space<vmem>>
      %dma_start3A_290 = tpu.memref_squeeze %dma_start3A_289 : memref<1x128xi32, #tpu.memory_space<vmem>> -> memref<128xi32, #tpu.memory_space<vmem>>
      %dma_start3A_291 = arith.constant 0 : i32
      %dma_start3A_292 = arith.constant 0 : i32
      %dma_start3A_293 = tpu.memref_slice %arg2[%dma_start3A_291, %dma_start3A_292] : memref<160000x128xi32, #tpu.memory_space<hbm>> -> memref<160000x128xi32, #tpu.memory_space<hbm>>
      tpu.enqueue_indirect_dma source(%dma_start3A_293 : memref<160000x128xi32, #tpu.memory_space<hbm>>) target(%dma_start3A_287 : memref<128x128xi32, #tpu.memory_space<vmem>>) offsets(%dma_start3A_290 : memref<128xi32, #tpu.memory_space<vmem>>) semaphore(%arg9 : memref<!tpu.dma_semaphore, #tpu.memory_space<semaphore_mem>>)
      %scan3A_294 = arith.constant 0 : i32
      %scan3A_295 = arith.constant 7 : i32
      %scan3A_296 = arith.addi %scan3A_294, %scan3A_295 : i32
      %scan3A_297 = arith.constant 1 : i32
      scf.for %scan3A_302 = %scan3A_294 to %scan3A_296 step %scan3A_297  : i32 {
        %and3A_303 = arith.constant 1 : i32
        %and3A_304 = arith.andi %scan3A_302, %and3A_303 : i32
        %lt3A = arith.constant 6 : i32
        %lt3A_305 = arith.cmpi slt, %scan3A_302, %lt3A : i32
        %convert_element_type3A_306 = arith.extui %lt3A_305 : i1 to i32
        %cond3A = arith.constant 0 : i32
        %cond3A_307 = arith.cmpi ne, %convert_element_type3A_306, %cond3A : i32
        scf.if %cond3A_307 {
          %add3A_387 = arith.constant 1 : i32
          %add3A_388 = arith.addi %scan3A_302, %add3A_387 : i32
          %and3A_389 = arith.constant 1 : i32
          %and3A_390 = arith.andi %add3A_388, %and3A_389 : i32
          %mul3A_391 = arith.constant 2 : i32
          %mul3A_392 = arith.muli %mul3A_391, %add3A_388 : i32
          %add3A_393 = arith.constant 0 : i32
          %add3A_394 = arith.addi %mul3A_392, %add3A_393 : i32
          %broadcast_in_dim3A_395 = vector.broadcast %add3A_394 : i32 to vector<16x1xi32>
          %gather3A_396 = vector.shape_cast %broadcast_in_dim3A_395 : vector<16x1xi32> to vector<16xi32>
          %gather3A_397 = tpu.dynamic_gather %min3A_135[%gather3A_396] in [0] : vector<16xi32>, vector<16xi32> -> vector<16xi32>
          %mul3A_398 = arith.constant 200 : i32
          %mul3A_399 = vector.broadcast %mul3A_398 : i32 to vector<16xi32>
          %mul3A_400 = arith.muli %gather3A_397, %mul3A_399 : vector<16xi32>
          %add3A_401 = arith.addi %mul3A_211, %mul3A_400 : vector<16xi32>
          %add3A_402 = arith.addi %add3A_401, %min3A_178 : vector<16xi32>
          %swap3A_403 = arith.index_cast %and3A_390 : i32 to index
          %swap3A_404 = arith.constant 0 : index
          %swap3A_405 = tpu.vector_load %arg6[%swap3A_403, %swap3A_404] {strides = array<i32>} : memref<2x128xi32, #tpu.memory_space<vmem>>, vector<16xi32>,
          tpu.vector_store %arg6[%swap3A_403, %swap3A_404], %add3A_402 {strides = array<i32>} : memref<2x128xi32, #tpu.memory_space<vmem>>, vector<16xi32>,
          %add3A_406 = arith.addi %add3A_401, %min3A_184 : vector<16xi32>
          %swap3A_407 = arith.index_cast %and3A_390 : i32 to index
          %swap3A_408 = arith.constant 16 : index
          %swap3A_409 = tpu.vector_load %arg6[%swap3A_407, %swap3A_408] {strides = array<i32>} : memref<2x128xi32, #tpu.memory_space<vmem>>, vector<16xi32>,
          tpu.vector_store %arg6[%swap3A_407, %swap3A_408], %add3A_406 {strides = array<i32>} : memref<2x128xi32, #tpu.memory_space<vmem>>, vector<16xi32>,
          %broadcast_in_dim3A_410 = vector.broadcast %add3A_394 : i32 to vector<16x1xi32>
          %gather3A_411 = vector.shape_cast %broadcast_in_dim3A_410 : vector<16x1xi32> to vector<16xi32>
          %gather3A_412 = tpu.dynamic_gather %min3A_141[%gather3A_411] in [0] : vector<16xi32>, vector<16xi32> -> vector<16xi32>
          %mul3A_413 = arith.constant 200 : i32
          %mul3A_414 = vector.broadcast %mul3A_413 : i32 to vector<16xi32>
          %mul3A_415 = arith.muli %gather3A_412, %mul3A_414 : vector<16xi32>
          %add3A_416 = arith.addi %mul3A_211, %mul3A_415 : vector<16xi32>
          %add3A_417 = arith.addi %add3A_416, %min3A_178 : vector<16xi32>
          %swap3A_418 = arith.index_cast %and3A_390 : i32 to index
          %swap3A_419 = arith.constant 32 : index
          %swap3A_420 = tpu.vector_load %arg6[%swap3A_418, %swap3A_419] {strides = array<i32>} : memref<2x128xi32, #tpu.memory_space<vmem>>, vector<16xi32>,
          tpu.vector_store %arg6[%swap3A_418, %swap3A_419], %add3A_417 {strides = array<i32>} : memref<2x128xi32, #tpu.memory_space<vmem>>, vector<16xi32>,
          %add3A_421 = arith.addi %add3A_416, %min3A_184 : vector<16xi32>
          %swap3A_422 = arith.index_cast %and3A_390 : i32 to index
          %swap3A_423 = arith.constant 48 : index
          %swap3A_424 = tpu.vector_load %arg6[%swap3A_422, %swap3A_423] {strides = array<i32>} : memref<2x128xi32, #tpu.memory_space<vmem>>, vector<16xi32>,
          tpu.vector_store %arg6[%swap3A_422, %swap3A_423], %add3A_421 {strides = array<i32>} : memref<2x128xi32, #tpu.memory_space<vmem>>, vector<16xi32>,
          %mul3A_425 = arith.constant 2 : i32
          %mul3A_426 = arith.muli %mul3A_425, %add3A_388 : i32
          %add3A_427 = arith.constant 1 : i32
          %add3A_428 = arith.addi %mul3A_426, %add3A_427 : i32
          %broadcast_in_dim3A_429 = vector.broadcast %add3A_428 : i32 to vector<16x1xi32>
          %gather3A_430 = vector.shape_cast %broadcast_in_dim3A_429 : vector<16x1xi32> to vector<16xi32>
          %gather3A_431 = tpu.dynamic_gather %min3A_135[%gather3A_430] in [0] : vector<16xi32>, vector<16xi32> -> vector<16xi32>
          %mul3A_432 = arith.constant 200 : i32
          %mul3A_433 = vector.broadcast %mul3A_432 : i32 to vector<16xi32>
          %mul3A_434 = arith.muli %gather3A_431, %mul3A_433 : vector<16xi32>
          %add3A_435 = arith.addi %mul3A_211, %mul3A_434 : vector<16xi32>
          %add3A_436 = arith.addi %add3A_435, %min3A_178 : vector<16xi32>
          %swap3A_437 = arith.index_cast %and3A_390 : i32 to index
          %swap3A_438 = arith.constant 64 : index
          %swap3A_439 = tpu.vector_load %arg6[%swap3A_437, %swap3A_438] {strides = array<i32>} : memref<2x128xi32, #tpu.memory_space<vmem>>, vector<16xi32>,
          tpu.vector_store %arg6[%swap3A_437, %swap3A_438], %add3A_436 {strides = array<i32>} : memref<2x128xi32, #tpu.memory_space<vmem>>, vector<16xi32>,
          %add3A_440 = arith.addi %add3A_435, %min3A_184 : vector<16xi32>
          %swap3A_441 = arith.index_cast %and3A_390 : i32 to index
          %swap3A_442 = arith.constant 80 : index
          %swap3A_443 = tpu.vector_load %arg6[%swap3A_441, %swap3A_442] {strides = array<i32>} : memref<2x128xi32, #tpu.memory_space<vmem>>, vector<16xi32>,
          tpu.vector_store %arg6[%swap3A_441, %swap3A_442], %add3A_440 {strides = array<i32>} : memref<2x128xi32, #tpu.memory_space<vmem>>, vector<16xi32>,
          %broadcast_in_dim3A_444 = vector.broadcast %add3A_428 : i32 to vector<16x1xi32>
          %gather3A_445 = vector.shape_cast %broadcast_in_dim3A_444 : vector<16x1xi32> to vector<16xi32>
          %gather3A_446 = tpu.dynamic_gather %min3A_141[%gather3A_445] in [0] : vector<16xi32>, vector<16xi32> -> vector<16xi32>
          %mul3A_447 = arith.constant 200 : i32
          %mul3A_448 = vector.broadcast %mul3A_447 : i32 to vector<16xi32>
          %mul3A_449 = arith.muli %gather3A_446, %mul3A_448 : vector<16xi32>
          %add3A_450 = arith.addi %mul3A_211, %mul3A_449 : vector<16xi32>
          %add3A_451 = arith.addi %add3A_450, %min3A_178 : vector<16xi32>
          %swap3A_452 = arith.index_cast %and3A_390 : i32 to index
          %swap3A_453 = arith.constant 96 : index
          %swap3A_454 = tpu.vector_load %arg6[%swap3A_452, %swap3A_453] {strides = array<i32>} : memref<2x128xi32, #tpu.memory_space<vmem>>, vector<16xi32>,
          tpu.vector_store %arg6[%swap3A_452, %swap3A_453], %add3A_451 {strides = array<i32>} : memref<2x128xi32, #tpu.memory_space<vmem>>, vector<16xi32>,
          %add3A_455 = arith.addi %add3A_450, %min3A_184 : vector<16xi32>
          %swap3A_456 = arith.index_cast %and3A_390 : i32 to index
          %swap3A_457 = arith.constant 112 : index
          %swap3A_458 = tpu.vector_load %arg6[%swap3A_456, %swap3A_457] {strides = array<i32>} : memref<2x128xi32, #tpu.memory_space<vmem>>, vector<16xi32>,
          tpu.vector_store %arg6[%swap3A_456, %swap3A_457], %add3A_455 {strides = array<i32>} : memref<2x128xi32, #tpu.memory_space<vmem>>, vector<16xi32>,
          %dma_start3A_459 = arith.constant 0 : i32
          %dma_start3A_460 = arith.constant 0 : i32
          %dma_start3A_461 = tpu.memref_slice %arg7[%and3A_390, %dma_start3A_459, %dma_start3A_460] : memref<2x128x128xi32, #tpu.memory_space<vmem>> -> memref<1x128x128xi32, #tpu.memory_space<vmem>>
          %dma_start3A_462 = tpu.memref_squeeze %dma_start3A_461 : memref<1x128x128xi32, #tpu.memory_space<vmem>> -> memref<128x128xi32, #tpu.memory_space<vmem>>
          %dma_start3A_463 = arith.constant 0 : i32
          %dma_start3A_464 = tpu.memref_slice %arg6[%and3A_390, %dma_start3A_463] : memref<2x128xi32, #tpu.memory_space<vmem>> -> memref<1x128xi32, #tpu.memory_space<vmem>>
          %dma_start3A_465 = tpu.memref_squeeze %dma_start3A_464 : memref<1x128xi32, #tpu.memory_space<vmem>> -> memref<128xi32, #tpu.memory_space<vmem>>
          %dma_start3A_466 = arith.constant 0 : i32
          %dma_start3A_467 = arith.constant 0 : i32
          %dma_start3A_468 = tpu.memref_slice %arg2[%dma_start3A_466, %dma_start3A_467] : memref<160000x128xi32, #tpu.memory_space<hbm>> -> memref<160000x128xi32, #tpu.memory_space<hbm>>
          tpu.enqueue_indirect_dma source(%dma_start3A_468 : memref<160000x128xi32, #tpu.memory_space<hbm>>) target(%dma_start3A_462 : memref<128x128xi32, #tpu.memory_space<vmem>>) offsets(%dma_start3A_465 : memref<128xi32, #tpu.memory_space<vmem>>) semaphore(%arg9 : memref<!tpu.dma_semaphore, #tpu.memory_space<semaphore_mem>>)
        } else {
        }
        %dma_wait3A = arith.constant 0 : i32
        %dma_wait3A_308 = arith.constant 0 : i32
        %dma_wait3A_309 = tpu.memref_slice %arg7[%and3A_304, %dma_wait3A, %dma_wait3A_308] : memref<2x128x128xi32, #tpu.memory_space<vmem>> -> memref<1x128x128xi32, #tpu.memory_space<vmem>>
        %dma_wait3A_310 = tpu.memref_squeeze %dma_wait3A_309 : memref<1x128x128xi32, #tpu.memory_space<vmem>> -> memref<128x128xi32, #tpu.memory_space<vmem>>
        %dma_wait3A_311 = arith.constant 0 : i32
        %dma_wait3A_312 = tpu.memref_slice %arg6[%and3A_304, %dma_wait3A_311] : memref<2x128xi32, #tpu.memory_space<vmem>> -> memref<1x128xi32, #tpu.memory_space<vmem>>
        %dma_wait3A_313 = tpu.memref_squeeze %dma_wait3A_312 : memref<1x128xi32, #tpu.memory_space<vmem>> -> memref<128xi32, #tpu.memory_space<vmem>>
        %dma_wait3A_314 = arith.constant 0 : i32
        %dma_wait3A_315 = arith.constant 0 : i32
        %dma_wait3A_316 = tpu.memref_slice %arg2[%dma_wait3A_314, %dma_wait3A_315] : memref<160000x128xi32, #tpu.memory_space<hbm>> -> memref<160000x128xi32, #tpu.memory_space<hbm>>
        tpu.wait_indirect_dma semaphore(%arg9 : memref<!tpu.dma_semaphore, #tpu.memory_space<semaphore_mem>>) src(%dma_wait3A_316 : memref<160000x128xi32, #tpu.memory_space<hbm>>) dst(%dma_wait3A_310 : memref<128x128xi32, #tpu.memory_space<vmem>>)
        %mul3A_317 = arith.constant 2 : i32
        %mul3A_318 = arith.muli %mul3A_317, %scan3A_302 : i32
        %add3A_319 = arith.constant 0 : i32
        %add3A_320 = arith.addi %mul3A_318, %add3A_319 : i32
        %broadcast_in_dim3A_321 = vector.broadcast %add3A_320 : i32 to vector<16x1xi32>
        %gather3A_322 = vector.shape_cast %broadcast_in_dim3A_321 : vector<16x1xi32> to vector<16xi32>
        %gather3A_323 = tpu.dynamic_gather %select_n3A_158[%gather3A_322] in [0] : vector<16xf32>, vector<16xi32> -> vector<16xf32>
        %bitcast3A = vector.bitcast %gather3A_323 : vector<16xf32> to vector<16xi32>
        %add3A_324 = arith.constant 32768 : i32
        %add3A_325 = vector.broadcast %add3A_324 : i32 to vector<16xi32>
        %add3A_326 = arith.addi %bitcast3A, %add3A_325 : vector<16xi32>
        %and3A_327 = arith.constant -65536 : i32
        %and3A_328 = vector.broadcast %and3A_327 : i32 to vector<16xi32>
        %and3A_329 = arith.andi %add3A_326, %and3A_328 : vector<16xi32>
        %shift_right_logical3A = arith.constant 16 : i32
        %shift_right_logical3A_330 = vector.broadcast %shift_right_logical3A : i32 to vector<16xi32>
        %shift_right_logical3A_331 = arith.shrui %and3A_329, %shift_right_logical3A_330 : vector<16xi32>
        %or3A = arith.ori %and3A_329, %shift_right_logical3A_331 : vector<16xi32>
        %bitcast3A_332 = vector.bitcast %or3A : vector<16xi32> to vector<32xbf16>
        %broadcast_in_dim3A_333 = vector.broadcast %add3A_320 : i32 to vector<16x1xi32>
        %gather3A_334 = vector.shape_cast %broadcast_in_dim3A_333 : vector<16x1xi32> to vector<16xi32>
        %gather3A_335 = tpu.dynamic_gather %select_n3A_164[%gather3A_334] in [0] : vector<16xf32>, vector<16xi32> -> vector<16xf32>
        %bitcast3A_336 = vector.bitcast %gather3A_335 : vector<16xf32> to vector<16xi32>
        %add3A_337 = arith.constant 32768 : i32
        %add3A_338 = vector.broadcast %add3A_337 : i32 to vector<16xi32>
        %add3A_339 = arith.addi %bitcast3A_336, %add3A_338 : vector<16xi32>
        %and3A_340 = arith.constant -65536 : i32
        %and3A_341 = vector.broadcast %and3A_340 : i32 to vector<16xi32>
        %and3A_342 = arith.andi %add3A_339, %and3A_341 : vector<16xi32>
        %shift_right_logical3A_343 = arith.constant 16 : i32
        %shift_right_logical3A_344 = vector.broadcast %shift_right_logical3A_343 : i32 to vector<16xi32>
        %shift_right_logical3A_345 = arith.shrui %and3A_342, %shift_right_logical3A_344 : vector<16xi32>
        %or3A_346 = arith.ori %and3A_342, %shift_right_logical3A_345 : vector<16xi32>
        %bitcast3A_347 = vector.bitcast %or3A_346 : vector<16xi32> to vector<32xbf16>
        %mul3A_348 = arith.constant 2 : i32
        %mul3A_349 = arith.muli %mul3A_348, %scan3A_302 : i32
        %add3A_350 = arith.constant 1 : i32
        %add3A_351 = arith.addi %mul3A_349, %add3A_350 : i32
        %broadcast_in_dim3A_352 = vector.broadcast %add3A_351 : i32 to vector<16x1xi32>
        %gather3A_353 = vector.shape_cast %broadcast_in_dim3A_352 : vector<16x1xi32> to vector<16xi32>
        %gather3A_354 = tpu.dynamic_gather %select_n3A_158[%gather3A_353] in [0] : vector<16xf32>, vector<16xi32> -> vector<16xf32>
        %bitcast3A_355 = vector.bitcast %gather3A_354 : vector<16xf32> to vector<16xi32>
        %add3A_356 = arith.constant 32768 : i32
        %add3A_357 = vector.broadcast %add3A_356 : i32 to vector<16xi32>
        %add3A_358 = arith.addi %bitcast3A_355, %add3A_357 : vector<16xi32>
        %and3A_359 = arith.constant -65536 : i32
        %and3A_360 = vector.broadcast %and3A_359 : i32 to vector<16xi32>
        %and3A_361 = arith.andi %add3A_358, %and3A_360 : vector<16xi32>
        %shift_right_logical3A_362 = arith.constant 16 : i32
        %shift_right_logical3A_363 = vector.broadcast %shift_right_logical3A_362 : i32 to vector<16xi32>
        %shift_right_logical3A_364 = arith.shrui %and3A_361, %shift_right_logical3A_363 : vector<16xi32>
        %or3A_365 = arith.ori %and3A_361, %shift_right_logical3A_364 : vector<16xi32>
        %bitcast3A_366 = vector.bitcast %or3A_365 : vector<16xi32> to vector<32xbf16>
        %broadcast_in_dim3A_367 = vector.broadcast %add3A_351 : i32 to vector<16x1xi32>
        %gather3A_368 = vector.shape_cast %broadcast_in_dim3A_367 : vector<16x1xi32> to vector<16xi32>
        %gather3A_369 = tpu.dynamic_gather %select_n3A_164[%gather3A_368] in [0] : vector<16xf32>, vector<16xi32> -> vector<16xf32>
        %bitcast3A_370 = vector.bitcast %gather3A_369 : vector<16xf32> to vector<16xi32>
        %add3A_371 = arith.constant 32768 : i32
        %add3A_372 = vector.broadcast %add3A_371 : i32 to vector<16xi32>
        %add3A_373 = arith.addi %bitcast3A_370, %add3A_372 : vector<16xi32>
        %and3A_374 = arith.constant -65536 : i32
        %and3A_375 = vector.broadcast %and3A_374 : i32 to vector<16xi32>
        %and3A_376 = arith.andi %add3A_373, %and3A_375 : vector<16xi32>
        %shift_right_logical3A_377 = arith.constant 16 : i32
        %shift_right_logical3A_378 = vector.broadcast %shift_right_logical3A_377 : i32 to vector<16xi32>
        %shift_right_logical3A_379 = arith.shrui %and3A_376, %shift_right_logical3A_378 : vector<16xi32>
        %or3A_380 = arith.ori %and3A_376, %shift_right_logical3A_379 : vector<16xi32>
        %bitcast3A_381 = vector.bitcast %or3A_380 : vector<16xi32> to vector<32xbf16>
        %scan3A_382 = arith.constant 0 : i32
        %scan3A_383 = arith.constant 7 : i32
        %scan3A_384 = arith.addi %scan3A_382, %scan3A_383 : i32
        %scan3A_385 = arith.constant 1 : i32
        scf.for %scan3A_387 = %scan3A_382 to %scan3A_384 step %scan3A_385  : i32 {
          %mul3A_388 = arith.constant 2 : i32
          %mul3A_389 = arith.muli %mul3A_388, %scan3A_387 : i32
          %add3A_390 = arith.constant 0 : i32
          %add3A_391 = arith.addi %mul3A_389, %add3A_390 : i32
          %broadcast_in_dim3A_392 = vector.broadcast %add3A_391 : i32 to vector<16x1xi32>
          %gather3A_393 = vector.shape_cast %broadcast_in_dim3A_392 : vector<16x1xi32> to vector<16xi32>
          %gather3A_394 = tpu.dynamic_gather %select_n3A_201[%gather3A_393] in [0] : vector<16xf32>, vector<16xi32> -> vector<16xf32>
          %bitcast3A_395 = vector.bitcast %gather3A_394 : vector<16xf32> to vector<16xi32>
          %add3A_396 = arith.constant 32768 : i32
          %add3A_397 = vector.broadcast %add3A_396 : i32 to vector<16xi32>
          %add3A_398 = arith.addi %bitcast3A_395, %add3A_397 : vector<16xi32>
          %and3A_399 = arith.constant -65536 : i32
          %and3A_400 = vector.broadcast %and3A_399 : i32 to vector<16xi32>
          %and3A_401 = arith.andi %add3A_398, %and3A_400 : vector<16xi32>
          %shift_right_logical3A_402 = arith.constant 16 : i32
          %shift_right_logical3A_403 = vector.broadcast %shift_right_logical3A_402 : i32 to vector<16xi32>
          %shift_right_logical3A_404 = arith.shrui %and3A_401, %shift_right_logical3A_403 : vector<16xi32>
          %or3A_405 = arith.ori %and3A_401, %shift_right_logical3A_404 : vector<16xi32>
          %bitcast3A_406 = vector.bitcast %or3A_405 : vector<16xi32> to vector<32xbf16>
          %broadcast_in_dim3A_407 = vector.broadcast %add3A_391 : i32 to vector<16x1xi32>
          %gather3A_408 = vector.shape_cast %broadcast_in_dim3A_407 : vector<16x1xi32> to vector<16xi32>
          %gather3A_409 = tpu.dynamic_gather %select_n3A_207[%gather3A_408] in [0] : vector<16xf32>, vector<16xi32> -> vector<16xf32>
          %bitcast3A_410 = vector.bitcast %gather3A_409 : vector<16xf32> to vector<16xi32>
          %add3A_411 = arith.constant 32768 : i32
          %add3A_412 = vector.broadcast %add3A_411 : i32 to vector<16xi32>
          %add3A_413 = arith.addi %bitcast3A_410, %add3A_412 : vector<16xi32>
          %and3A_414 = arith.constant -65536 : i32
          %and3A_415 = vector.broadcast %and3A_414 : i32 to vector<16xi32>
          %and3A_416 = arith.andi %add3A_413, %and3A_415 : vector<16xi32>
          %shift_right_logical3A_417 = arith.constant 16 : i32
          %shift_right_logical3A_418 = vector.broadcast %shift_right_logical3A_417 : i32 to vector<16xi32>
          %shift_right_logical3A_419 = arith.shrui %and3A_416, %shift_right_logical3A_418 : vector<16xi32>
          %or3A_420 = arith.ori %and3A_416, %shift_right_logical3A_419 : vector<16xi32>
          %bitcast3A_421 = vector.bitcast %or3A_420 : vector<16xi32> to vector<32xbf16>
          %mul3A_422 = arith.mulf %bitcast3A_332, %bitcast3A_406 : vector<32xbf16>
          %add3A_423 = arith.constant 0 : i32
          %add3A_424 = arith.addi %add3A_423, %add3A_391 : i32
          %mul3A_425 = arith.mulf %bitcast3A_332, %bitcast3A_421 : vector<32xbf16>
          %add3A_426 = arith.constant 16 : i32
          %add3A_427 = arith.addi %add3A_426, %add3A_391 : i32
          %mul3A_428 = arith.mulf %bitcast3A_347, %bitcast3A_406 : vector<32xbf16>
          %add3A_429 = arith.constant 32 : i32
          %add3A_430 = arith.addi %add3A_429, %add3A_391 : i32
          %mul3A_431 = arith.mulf %bitcast3A_347, %bitcast3A_421 : vector<32xbf16>
          %add3A_432 = arith.constant 48 : i32
          %add3A_433 = arith.addi %add3A_432, %add3A_391 : i32
          %mul3A_434 = arith.mulf %bitcast3A_366, %bitcast3A_406 : vector<32xbf16>
          %add3A_435 = arith.constant 64 : i32
          %add3A_436 = arith.addi %add3A_435, %add3A_391 : i32
          %mul3A_437 = arith.mulf %bitcast3A_366, %bitcast3A_421 : vector<32xbf16>
          %add3A_438 = arith.constant 80 : i32
          %add3A_439 = arith.addi %add3A_438, %add3A_391 : i32
          %mul3A_440 = arith.mulf %bitcast3A_381, %bitcast3A_406 : vector<32xbf16>
          %add3A_441 = arith.constant 96 : i32
          %add3A_442 = arith.addi %add3A_441, %add3A_391 : i32
          %mul3A_443 = arith.mulf %bitcast3A_381, %bitcast3A_421 : vector<32xbf16>
          %add3A_444 = arith.constant 112 : i32
          %add3A_445 = arith.addi %add3A_444, %add3A_391 : i32
          %mul3A_446 = arith.constant 2 : i32
          %mul3A_447 = arith.muli %mul3A_446, %scan3A_387 : i32
          %add3A_448 = arith.constant 1 : i32
          %add3A_449 = arith.addi %mul3A_447, %add3A_448 : i32
          %broadcast_in_dim3A_450 = vector.broadcast %add3A_449 : i32 to vector<16x1xi32>
          %gather3A_451 = vector.shape_cast %broadcast_in_dim3A_450 : vector<16x1xi32> to vector<16xi32>
          %gather3A_452 = tpu.dynamic_gather %select_n3A_201[%gather3A_451] in [0] : vector<16xf32>, vector<16xi32> -> vector<16xf32>
          %bitcast3A_453 = vector.bitcast %gather3A_452 : vector<16xf32> to vector<16xi32>
          %add3A_454 = arith.constant 32768 : i32
          %add3A_455 = vector.broadcast %add3A_454 : i32 to vector<16xi32>
          %add3A_456 = arith.addi %bitcast3A_453, %add3A_455 : vector<16xi32>
          %and3A_457 = arith.constant -65536 : i32
          %and3A_458 = vector.broadcast %and3A_457 : i32 to vector<16xi32>
          %and3A_459 = arith.andi %add3A_456, %and3A_458 : vector<16xi32>
          %shift_right_logical3A_460 = arith.constant 16 : i32
          %shift_right_logical3A_461 = vector.broadcast %shift_right_logical3A_460 : i32 to vector<16xi32>
          %shift_right_logical3A_462 = arith.shrui %and3A_459, %shift_right_logical3A_461 : vector<16xi32>
          %or3A_463 = arith.ori %and3A_459, %shift_right_logical3A_462 : vector<16xi32>
          %bitcast3A_464 = vector.bitcast %or3A_463 : vector<16xi32> to vector<32xbf16>
          %broadcast_in_dim3A_465 = vector.broadcast %add3A_449 : i32 to vector<16x1xi32>
          %gather3A_466 = vector.shape_cast %broadcast_in_dim3A_465 : vector<16x1xi32> to vector<16xi32>
          %gather3A_467 = tpu.dynamic_gather %select_n3A_207[%gather3A_466] in [0] : vector<16xf32>, vector<16xi32> -> vector<16xf32>
          %bitcast3A_468 = vector.bitcast %gather3A_467 : vector<16xf32> to vector<16xi32>
          %add3A_469 = arith.constant 32768 : i32
          %add3A_470 = vector.broadcast %add3A_469 : i32 to vector<16xi32>
          %add3A_471 = arith.addi %bitcast3A_468, %add3A_470 : vector<16xi32>
          %and3A_472 = arith.constant -65536 : i32
          %and3A_473 = vector.broadcast %and3A_472 : i32 to vector<16xi32>
          %and3A_474 = arith.andi %add3A_471, %and3A_473 : vector<16xi32>
          %shift_right_logical3A_475 = arith.constant 16 : i32
          %shift_right_logical3A_476 = vector.broadcast %shift_right_logical3A_475 : i32 to vector<16xi32>
          %shift_right_logical3A_477 = arith.shrui %and3A_474, %shift_right_logical3A_476 : vector<16xi32>
          %or3A_478 = arith.ori %and3A_474, %shift_right_logical3A_477 : vector<16xi32>
          %bitcast3A_479 = vector.bitcast %or3A_478 : vector<16xi32> to vector<32xbf16>
          %mul3A_480 = arith.mulf %bitcast3A_332, %bitcast3A_464 : vector<32xbf16>
          %add3A_481 = arith.constant 0 : i32
          %add3A_482 = arith.addi %add3A_481, %add3A_449 : i32
          %mul3A_483 = arith.mulf %bitcast3A_332, %bitcast3A_479 : vector<32xbf16>
          %add3A_484 = arith.constant 16 : i32
          %add3A_485 = arith.addi %add3A_484, %add3A_449 : i32
          %mul3A_486 = arith.mulf %bitcast3A_347, %bitcast3A_464 : vector<32xbf16>
          %add3A_487 = arith.constant 32 : i32
          %add3A_488 = arith.addi %add3A_487, %add3A_449 : i32
          %mul3A_489 = arith.mulf %bitcast3A_347, %bitcast3A_479 : vector<32xbf16>
          %add3A_490 = arith.constant 48 : i32
          %add3A_491 = arith.addi %add3A_490, %add3A_449 : i32
          %mul3A_492 = arith.mulf %bitcast3A_366, %bitcast3A_464 : vector<32xbf16>
          %add3A_493 = arith.constant 64 : i32
          %add3A_494 = arith.addi %add3A_493, %add3A_449 : i32
          %mul3A_495 = arith.mulf %bitcast3A_366, %bitcast3A_479 : vector<32xbf16>
          %add3A_496 = arith.constant 80 : i32
          %add3A_497 = arith.addi %add3A_496, %add3A_449 : i32
          %mul3A_498 = arith.mulf %bitcast3A_381, %bitcast3A_464 : vector<32xbf16>
          %add3A_499 = arith.constant 96 : i32
          %add3A_500 = arith.addi %add3A_499, %add3A_449 : i32
          %mul3A_501 = arith.mulf %bitcast3A_381, %bitcast3A_479 : vector<32xbf16>
          %add3A_502 = arith.constant 112 : i32
          %add3A_503 = arith.addi %add3A_502, %add3A_449 : i32
          %get3A_504 = arith.index_cast %and3A_304 : i32 to index
          %get3A_505 = arith.index_cast %add3A_424 : i32 to index
          %get3A_506 = arith.constant 0 : index
          %get3A_507 = tpu.vector_load %arg7[%get3A_504, %get3A_505, %get3A_506] {strides = array<i32>} : memref<2x128x128xi32, #tpu.memory_space<vmem>>, vector<16xi32>,
          %bitcast3A_508 = vector.bitcast %get3A_507 : vector<16xi32> to vector<32xbf16>
          %mul3A_509 = arith.mulf %mul3A_422, %bitcast3A_508 : vector<32xbf16>
          %get3A_510 = arith.index_cast %and3A_304 : i32 to index
          %get3A_511 = arith.index_cast %add3A_427 : i32 to index
          %get3A_512 = arith.constant 0 : index
          %get3A_513 = tpu.vector_load %arg7[%get3A_510, %get3A_511, %get3A_512] {strides = array<i32>} : memref<2x128x128xi32, #tpu.memory_space<vmem>>, vector<16xi32>,
          %bitcast3A_514 = vector.bitcast %get3A_513 : vector<16xi32> to vector<32xbf16>
          %mul3A_515 = arith.mulf %mul3A_425, %bitcast3A_514 : vector<32xbf16>
          %get3A_516 = arith.index_cast %and3A_304 : i32 to index
          %get3A_517 = arith.index_cast %add3A_430 : i32 to index
          %get3A_518 = arith.constant 0 : index
          %get3A_519 = tpu.vector_load %arg7[%get3A_516, %get3A_517, %get3A_518] {strides = array<i32>} : memref<2x128x128xi32, #tpu.memory_space<vmem>>, vector<16xi32>,
          %bitcast3A_520 = vector.bitcast %get3A_519 : vector<16xi32> to vector<32xbf16>
          %mul3A_521 = arith.mulf %mul3A_428, %bitcast3A_520 : vector<32xbf16>
          %get3A_522 = arith.index_cast %and3A_304 : i32 to index
          %get3A_523 = arith.index_cast %add3A_433 : i32 to index
          %get3A_524 = arith.constant 0 : index
          %get3A_525 = tpu.vector_load %arg7[%get3A_522, %get3A_523, %get3A_524] {strides = array<i32>} : memref<2x128x128xi32, #tpu.memory_space<vmem>>, vector<16xi32>,
          %bitcast3A_526 = vector.bitcast %get3A_525 : vector<16xi32> to vector<32xbf16>
          %mul3A_527 = arith.mulf %mul3A_431, %bitcast3A_526 : vector<32xbf16>
          %get3A_528 = arith.index_cast %and3A_304 : i32 to index
          %get3A_529 = arith.index_cast %add3A_436 : i32 to index
          %get3A_530 = arith.constant 0 : index
          %get3A_531 = tpu.vector_load %arg7[%get3A_528, %get3A_529, %get3A_530] {strides = array<i32>} : memref<2x128x128xi32, #tpu.memory_space<vmem>>, vector<16xi32>,
          %bitcast3A_532 = vector.bitcast %get3A_531 : vector<16xi32> to vector<32xbf16>
          %mul3A_533 = arith.mulf %mul3A_434, %bitcast3A_532 : vector<32xbf16>
          %get3A_534 = arith.index_cast %and3A_304 : i32 to index
          %get3A_535 = arith.index_cast %add3A_439 : i32 to index
          %get3A_536 = arith.constant 0 : index
          %get3A_537 = tpu.vector_load %arg7[%get3A_534, %get3A_535, %get3A_536] {strides = array<i32>} : memref<2x128x128xi32, #tpu.memory_space<vmem>>, vector<16xi32>,
          %bitcast3A_538 = vector.bitcast %get3A_537 : vector<16xi32> to vector<32xbf16>
          %mul3A_539 = arith.mulf %mul3A_437, %bitcast3A_538 : vector<32xbf16>
          %get3A_540 = arith.index_cast %and3A_304 : i32 to index
          %get3A_541 = arith.index_cast %add3A_442 : i32 to index
          %get3A_542 = arith.constant 0 : index
          %get3A_543 = tpu.vector_load %arg7[%get3A_540, %get3A_541, %get3A_542] {strides = array<i32>} : memref<2x128x128xi32, #tpu.memory_space<vmem>>, vector<16xi32>,
          %bitcast3A_544 = vector.bitcast %get3A_543 : vector<16xi32> to vector<32xbf16>
          %mul3A_545 = arith.mulf %mul3A_440, %bitcast3A_544 : vector<32xbf16>
          %get3A_546 = arith.index_cast %and3A_304 : i32 to index
          %get3A_547 = arith.index_cast %add3A_445 : i32 to index
          %get3A_548 = arith.constant 0 : index
          %get3A_549 = tpu.vector_load %arg7[%get3A_546, %get3A_547, %get3A_548] {strides = array<i32>} : memref<2x128x128xi32, #tpu.memory_space<vmem>>, vector<16xi32>,
          %bitcast3A_550 = vector.bitcast %get3A_549 : vector<16xi32> to vector<32xbf16>
          %mul3A_551 = arith.mulf %mul3A_443, %bitcast3A_550 : vector<32xbf16>
          %get3A_552 = arith.index_cast %and3A_304 : i32 to index
          %get3A_553 = arith.index_cast %add3A_482 : i32 to index
          %get3A_554 = arith.constant 0 : index
          %get3A_555 = tpu.vector_load %arg7[%get3A_552, %get3A_553, %get3A_554] {strides = array<i32>} : memref<2x128x128xi32, #tpu.memory_space<vmem>>, vector<16xi32>,
          %bitcast3A_556 = vector.bitcast %get3A_555 : vector<16xi32> to vector<32xbf16>
          %mul3A_557 = arith.mulf %mul3A_480, %bitcast3A_556 : vector<32xbf16>
          %get3A_558 = arith.index_cast %and3A_304 : i32 to index
          %get3A_559 = arith.index_cast %add3A_485 : i32 to index
          %get3A_560 = arith.constant 0 : index
          %get3A_561 = tpu.vector_load %arg7[%get3A_558, %get3A_559, %get3A_560] {strides = array<i32>} : memref<2x128x128xi32, #tpu.memory_space<vmem>>, vector<16xi32>,
          %bitcast3A_562 = vector.bitcast %get3A_561 : vector<16xi32> to vector<32xbf16>
          %mul3A_563 = arith.mulf %mul3A_483, %bitcast3A_562 : vector<32xbf16>
          %get3A_564 = arith.index_cast %and3A_304 : i32 to index
          %get3A_565 = arith.index_cast %add3A_488 : i32 to index
          %get3A_566 = arith.constant 0 : index
          %get3A_567 = tpu.vector_load %arg7[%get3A_564, %get3A_565, %get3A_566] {strides = array<i32>} : memref<2x128x128xi32, #tpu.memory_space<vmem>>, vector<16xi32>,
          %bitcast3A_568 = vector.bitcast %get3A_567 : vector<16xi32> to vector<32xbf16>
          %mul3A_569 = arith.mulf %mul3A_486, %bitcast3A_568 : vector<32xbf16>
          %get3A_570 = arith.index_cast %and3A_304 : i32 to index
          %get3A_571 = arith.index_cast %add3A_491 : i32 to index
          %get3A_572 = arith.constant 0 : index
          %get3A_573 = tpu.vector_load %arg7[%get3A_570, %get3A_571, %get3A_572] {strides = array<i32>} : memref<2x128x128xi32, #tpu.memory_space<vmem>>, vector<16xi32>,
          %bitcast3A_574 = vector.bitcast %get3A_573 : vector<16xi32> to vector<32xbf16>
          %mul3A_575 = arith.mulf %mul3A_489, %bitcast3A_574 : vector<32xbf16>
          %get3A_576 = arith.index_cast %and3A_304 : i32 to index
          %get3A_577 = arith.index_cast %add3A_494 : i32 to index
          %get3A_578 = arith.constant 0 : index
          %get3A_579 = tpu.vector_load %arg7[%get3A_576, %get3A_577, %get3A_578] {strides = array<i32>} : memref<2x128x128xi32, #tpu.memory_space<vmem>>, vector<16xi32>,
          %bitcast3A_580 = vector.bitcast %get3A_579 : vector<16xi32> to vector<32xbf16>
          %mul3A_581 = arith.mulf %mul3A_492, %bitcast3A_580 : vector<32xbf16>
          %get3A_582 = arith.index_cast %and3A_304 : i32 to index
          %get3A_583 = arith.index_cast %add3A_497 : i32 to index
          %get3A_584 = arith.constant 0 : index
          %get3A_585 = tpu.vector_load %arg7[%get3A_582, %get3A_583, %get3A_584] {strides = array<i32>} : memref<2x128x128xi32, #tpu.memory_space<vmem>>, vector<16xi32>,
          %bitcast3A_586 = vector.bitcast %get3A_585 : vector<16xi32> to vector<32xbf16>
          %mul3A_587 = arith.mulf %mul3A_495, %bitcast3A_586 : vector<32xbf16>
          %get3A_588 = arith.index_cast %and3A_304 : i32 to index
          %get3A_589 = arith.index_cast %add3A_500 : i32 to index
          %get3A_590 = arith.constant 0 : index
          %get3A_591 = tpu.vector_load %arg7[%get3A_588, %get3A_589, %get3A_590] {strides = array<i32>} : memref<2x128x128xi32, #tpu.memory_space<vmem>>, vector<16xi32>,
          %bitcast3A_592 = vector.bitcast %get3A_591 : vector<16xi32> to vector<32xbf16>
          %mul3A_593 = arith.mulf %mul3A_498, %bitcast3A_592 : vector<32xbf16>
          %get3A_594 = arith.index_cast %and3A_304 : i32 to index
          %get3A_595 = arith.index_cast %add3A_503 : i32 to index
          %get3A_596 = arith.constant 0 : index
          %get3A_597 = tpu.vector_load %arg7[%get3A_594, %get3A_595, %get3A_596] {strides = array<i32>} : memref<2x128x128xi32, #tpu.memory_space<vmem>>, vector<16xi32>,
          %bitcast3A_598 = vector.bitcast %get3A_597 : vector<16xi32> to vector<32xbf16>
          %mul3A_599 = arith.mulf %mul3A_501, %bitcast3A_598 : vector<32xbf16>
          %add3A_600 = arith.addf %mul3A_509, %mul3A_515 : vector<32xbf16>
          %add3A_601 = arith.addf %mul3A_521, %mul3A_527 : vector<32xbf16>
          %add3A_602 = arith.addf %mul3A_533, %mul3A_539 : vector<32xbf16>
          %add3A_603 = arith.addf %mul3A_545, %mul3A_551 : vector<32xbf16>
          %add3A_604 = arith.addf %mul3A_557, %mul3A_563 : vector<32xbf16>
          %add3A_605 = arith.addf %mul3A_569, %mul3A_575 : vector<32xbf16>
          %add3A_606 = arith.addf %mul3A_581, %mul3A_587 : vector<32xbf16>
          %add3A_607 = arith.addf %mul3A_593, %mul3A_599 : vector<32xbf16>
          %add3A_608 = arith.addf %add3A_600, %add3A_601 : vector<32xbf16>
          %add3A_609 = arith.addf %add3A_602, %add3A_603 : vector<32xbf16>
          %add3A_610 = arith.addf %add3A_604, %add3A_605 : vector<32xbf16>
          %add3A_611 = arith.addf %add3A_606, %add3A_607 : vector<32xbf16>
          %add3A_612 = arith.addf %add3A_608, %add3A_609 : vector<32xbf16>
          %add3A_613 = arith.addf %add3A_610, %add3A_611 : vector<32xbf16>
          %add3A_614 = arith.addf %add3A_612, %add3A_613 : vector<32xbf16>
          %bitcast3A_615 = vector.bitcast %add3A_614 : vector<32xbf16> to vector<16xi32>
          %mul3A_616 = arith.constant 7 : i32
          %mul3A_617 = arith.muli %scan3A_302, %mul3A_616 : i32
          %add3A_618 = arith.addi %mul3A_617, %scan3A_387 : i32
          %swap3A_619 = arith.index_cast %add3A_618 : i32 to index
          %swap3A_620 = arith.constant 0 : index
          %swap3A_621 = tpu.vector_load %arg8[%swap3A_619, %swap3A_620] {strides = array<i32>} : memref<49x128xi32, #tpu.memory_space<vmem>>, vector<16xi32>,
          tpu.vector_store %arg8[%swap3A_619, %swap3A_620], %bitcast3A_615 {strides = array<i32>} : memref<49x128xi32, #tpu.memory_space<vmem>>, vector<16xi32>,
          %get3A_622 = arith.index_cast %and3A_304 : i32 to index
          %get3A_623 = arith.index_cast %add3A_424 : i32 to index
          %get3A_624 = arith.constant 16 : index
          %get3A_625 = tpu.vector_load %arg7[%get3A_622, %get3A_623, %get3A_624] {strides = array<i32>} : memref<2x128x128xi32, #tpu.memory_space<vmem>>, vector<16xi32>,
          %bitcast3A_626 = vector.bitcast %get3A_625 : vector<16xi32> to vector<32xbf16>
          %mul3A_627 = arith.mulf %mul3A_422, %bitcast3A_626 : vector<32xbf16>
          %get3A_628 = arith.index_cast %and3A_304 : i32 to index
          %get3A_629 = arith.index_cast %add3A_427 : i32 to index
          %get3A_630 = arith.constant 16 : index
          %get3A_631 = tpu.vector_load %arg7[%get3A_628, %get3A_629, %get3A_630] {strides = array<i32>} : memref<2x128x128xi32, #tpu.memory_space<vmem>>, vector<16xi32>,
          %bitcast3A_632 = vector.bitcast %get3A_631 : vector<16xi32> to vector<32xbf16>
          %mul3A_633 = arith.mulf %mul3A_425, %bitcast3A_632 : vector<32xbf16>
          %get3A_634 = arith.index_cast %and3A_304 : i32 to index
          %get3A_635 = arith.index_cast %add3A_430 : i32 to index
          %get3A_636 = arith.constant 16 : index
          %get3A_637 = tpu.vector_load %arg7[%get3A_634, %get3A_635, %get3A_636] {strides = array<i32>} : memref<2x128x128xi32, #tpu.memory_space<vmem>>, vector<16xi32>,
          %bitcast3A_638 = vector.bitcast %get3A_637 : vector<16xi32> to vector<32xbf16>
          %mul3A_639 = arith.mulf %mul3A_428, %bitcast3A_638 : vector<32xbf16>
          %get3A_640 = arith.index_cast %and3A_304 : i32 to index
          %get3A_641 = arith.index_cast %add3A_433 : i32 to index
          %get3A_642 = arith.constant 16 : index
          %get3A_643 = tpu.vector_load %arg7[%get3A_640, %get3A_641, %get3A_642] {strides = array<i32>} : memref<2x128x128xi32, #tpu.memory_space<vmem>>, vector<16xi32>,
          %bitcast3A_644 = vector.bitcast %get3A_643 : vector<16xi32> to vector<32xbf16>
          %mul3A_645 = arith.mulf %mul3A_431, %bitcast3A_644 : vector<32xbf16>
          %get3A_646 = arith.index_cast %and3A_304 : i32 to index
          %get3A_647 = arith.index_cast %add3A_436 : i32 to index
          %get3A_648 = arith.constant 16 : index
          %get3A_649 = tpu.vector_load %arg7[%get3A_646, %get3A_647, %get3A_648] {strides = array<i32>} : memref<2x128x128xi32, #tpu.memory_space<vmem>>, vector<16xi32>,
          %bitcast3A_650 = vector.bitcast %get3A_649 : vector<16xi32> to vector<32xbf16>
          %mul3A_651 = arith.mulf %mul3A_434, %bitcast3A_650 : vector<32xbf16>
          %get3A_652 = arith.index_cast %and3A_304 : i32 to index
          %get3A_653 = arith.index_cast %add3A_439 : i32 to index
          %get3A_654 = arith.constant 16 : index
          %get3A_655 = tpu.vector_load %arg7[%get3A_652, %get3A_653, %get3A_654] {strides = array<i32>} : memref<2x128x128xi32, #tpu.memory_space<vmem>>, vector<16xi32>,
          %bitcast3A_656 = vector.bitcast %get3A_655 : vector<16xi32> to vector<32xbf16>
          %mul3A_657 = arith.mulf %mul3A_437, %bitcast3A_656 : vector<32xbf16>
          %get3A_658 = arith.index_cast %and3A_304 : i32 to index
          %get3A_659 = arith.index_cast %add3A_442 : i32 to index
          %get3A_660 = arith.constant 16 : index
          %get3A_661 = tpu.vector_load %arg7[%get3A_658, %get3A_659, %get3A_660] {strides = array<i32>} : memref<2x128x128xi32, #tpu.memory_space<vmem>>, vector<16xi32>,
          %bitcast3A_662 = vector.bitcast %get3A_661 : vector<16xi32> to vector<32xbf16>
          %mul3A_663 = arith.mulf %mul3A_440, %bitcast3A_662 : vector<32xbf16>
          %get3A_664 = arith.index_cast %and3A_304 : i32 to index
          %get3A_665 = arith.index_cast %add3A_445 : i32 to index
          %get3A_666 = arith.constant 16 : index
          %get3A_667 = tpu.vector_load %arg7[%get3A_664, %get3A_665, %get3A_666] {strides = array<i32>} : memref<2x128x128xi32, #tpu.memory_space<vmem>>, vector<16xi32>,
          %bitcast3A_668 = vector.bitcast %get3A_667 : vector<16xi32> to vector<32xbf16>
          %mul3A_669 = arith.mulf %mul3A_443, %bitcast3A_668 : vector<32xbf16>
          %get3A_670 = arith.index_cast %and3A_304 : i32 to index
          %get3A_671 = arith.index_cast %add3A_482 : i32 to index
          %get3A_672 = arith.constant 16 : index
          %get3A_673 = tpu.vector_load %arg7[%get3A_670, %get3A_671, %get3A_672] {strides = array<i32>} : memref<2x128x128xi32, #tpu.memory_space<vmem>>, vector<16xi32>,
          %bitcast3A_674 = vector.bitcast %get3A_673 : vector<16xi32> to vector<32xbf16>
          %mul3A_675 = arith.mulf %mul3A_480, %bitcast3A_674 : vector<32xbf16>
          %get3A_676 = arith.index_cast %and3A_304 : i32 to index
          %get3A_677 = arith.index_cast %add3A_485 : i32 to index
          %get3A_678 = arith.constant 16 : index
          %get3A_679 = tpu.vector_load %arg7[%get3A_676, %get3A_677, %get3A_678] {strides = array<i32>} : memref<2x128x128xi32, #tpu.memory_space<vmem>>, vector<16xi32>,
          %bitcast3A_680 = vector.bitcast %get3A_679 : vector<16xi32> to vector<32xbf16>
          %mul3A_681 = arith.mulf %mul3A_483, %bitcast3A_680 : vector<32xbf16>
          %get3A_682 = arith.index_cast %and3A_304 : i32 to index
          %get3A_683 = arith.index_cast %add3A_488 : i32 to index
          %get3A_684 = arith.constant 16 : index
          %get3A_685 = tpu.vector_load %arg7[%get3A_682, %get3A_683, %get3A_684] {strides = array<i32>} : memref<2x128x128xi32, #tpu.memory_space<vmem>>, vector<16xi32>,
          %bitcast3A_686 = vector.bitcast %get3A_685 : vector<16xi32> to vector<32xbf16>
          %mul3A_687 = arith.mulf %mul3A_486, %bitcast3A_686 : vector<32xbf16>
          %get3A_688 = arith.index_cast %and3A_304 : i32 to index
          %get3A_689 = arith.index_cast %add3A_491 : i32 to index
          %get3A_690 = arith.constant 16 : index
          %get3A_691 = tpu.vector_load %arg7[%get3A_688, %get3A_689, %get3A_690] {strides = array<i32>} : memref<2x128x128xi32, #tpu.memory_space<vmem>>, vector<16xi32>,
          %bitcast3A_692 = vector.bitcast %get3A_691 : vector<16xi32> to vector<32xbf16>
          %mul3A_693 = arith.mulf %mul3A_489, %bitcast3A_692 : vector<32xbf16>
          %get3A_694 = arith.index_cast %and3A_304 : i32 to index
          %get3A_695 = arith.index_cast %add3A_494 : i32 to index
          %get3A_696 = arith.constant 16 : index
          %get3A_697 = tpu.vector_load %arg7[%get3A_694, %get3A_695, %get3A_696] {strides = array<i32>} : memref<2x128x128xi32, #tpu.memory_space<vmem>>, vector<16xi32>,
          %bitcast3A_698 = vector.bitcast %get3A_697 : vector<16xi32> to vector<32xbf16>
          %mul3A_699 = arith.mulf %mul3A_492, %bitcast3A_698 : vector<32xbf16>
          %get3A_700 = arith.index_cast %and3A_304 : i32 to index
          %get3A_701 = arith.index_cast %add3A_497 : i32 to index
          %get3A_702 = arith.constant 16 : index
          %get3A_703 = tpu.vector_load %arg7[%get3A_700, %get3A_701, %get3A_702] {strides = array<i32>} : memref<2x128x128xi32, #tpu.memory_space<vmem>>, vector<16xi32>,
          %bitcast3A_704 = vector.bitcast %get3A_703 : vector<16xi32> to vector<32xbf16>
          %mul3A_705 = arith.mulf %mul3A_495, %bitcast3A_704 : vector<32xbf16>
          %get3A_706 = arith.index_cast %and3A_304 : i32 to index
          %get3A_707 = arith.index_cast %add3A_500 : i32 to index
          %get3A_708 = arith.constant 16 : index
          %get3A_709 = tpu.vector_load %arg7[%get3A_706, %get3A_707, %get3A_708] {strides = array<i32>} : memref<2x128x128xi32, #tpu.memory_space<vmem>>, vector<16xi32>,
          %bitcast3A_710 = vector.bitcast %get3A_709 : vector<16xi32> to vector<32xbf16>
          %mul3A_711 = arith.mulf %mul3A_498, %bitcast3A_710 : vector<32xbf16>
          %get3A_712 = arith.index_cast %and3A_304 : i32 to index
          %get3A_713 = arith.index_cast %add3A_503 : i32 to index
          %get3A_714 = arith.constant 16 : index
          %get3A_715 = tpu.vector_load %arg7[%get3A_712, %get3A_713, %get3A_714] {strides = array<i32>} : memref<2x128x128xi32, #tpu.memory_space<vmem>>, vector<16xi32>,
          %bitcast3A_716 = vector.bitcast %get3A_715 : vector<16xi32> to vector<32xbf16>
          %mul3A_717 = arith.mulf %mul3A_501, %bitcast3A_716 : vector<32xbf16>
          %add3A_718 = arith.addf %mul3A_627, %mul3A_633 : vector<32xbf16>
          %add3A_719 = arith.addf %mul3A_639, %mul3A_645 : vector<32xbf16>
          %add3A_720 = arith.addf %mul3A_651, %mul3A_657 : vector<32xbf16>
          %add3A_721 = arith.addf %mul3A_663, %mul3A_669 : vector<32xbf16>
          %add3A_722 = arith.addf %mul3A_675, %mul3A_681 : vector<32xbf16>
          %add3A_723 = arith.addf %mul3A_687, %mul3A_693 : vector<32xbf16>
          %add3A_724 = arith.addf %mul3A_699, %mul3A_705 : vector<32xbf16>
          %add3A_725 = arith.addf %mul3A_711, %mul3A_717 : vector<32xbf16>
          %add3A_726 = arith.addf %add3A_718, %add3A_719 : vector<32xbf16>
          %add3A_727 = arith.addf %add3A_720, %add3A_721 : vector<32xbf16>
          %add3A_728 = arith.addf %add3A_722, %add3A_723 : vector<32xbf16>
          %add3A_729 = arith.addf %add3A_724, %add3A_725 : vector<32xbf16>
          %add3A_730 = arith.addf %add3A_726, %add3A_727 : vector<32xbf16>
          %add3A_731 = arith.addf %add3A_728, %add3A_729 : vector<32xbf16>
          %add3A_732 = arith.addf %add3A_730, %add3A_731 : vector<32xbf16>
          %bitcast3A_733 = vector.bitcast %add3A_732 : vector<32xbf16> to vector<16xi32>
          %mul3A_734 = arith.constant 7 : i32
          %mul3A_735 = arith.muli %scan3A_302, %mul3A_734 : i32
          %add3A_736 = arith.addi %mul3A_735, %scan3A_387 : i32
          %swap3A_737 = arith.index_cast %add3A_736 : i32 to index
          %swap3A_738 = arith.constant 16 : index
          %swap3A_739 = tpu.vector_load %arg8[%swap3A_737, %swap3A_738] {strides = array<i32>} : memref<49x128xi32, #tpu.memory_space<vmem>>, vector<16xi32>,
          tpu.vector_store %arg8[%swap3A_737, %swap3A_738], %bitcast3A_733 {strides = array<i32>} : memref<49x128xi32, #tpu.memory_space<vmem>>, vector<16xi32>,
          %get3A_740 = arith.index_cast %and3A_304 : i32 to index
          %get3A_741 = arith.index_cast %add3A_424 : i32 to index
          %get3A_742 = arith.constant 32 : index
          %get3A_743 = tpu.vector_load %arg7[%get3A_740, %get3A_741, %get3A_742] {strides = array<i32>} : memref<2x128x128xi32, #tpu.memory_space<vmem>>, vector<16xi32>,
          %bitcast3A_744 = vector.bitcast %get3A_743 : vector<16xi32> to vector<32xbf16>
          %mul3A_745 = arith.mulf %mul3A_422, %bitcast3A_744 : vector<32xbf16>
          %get3A_746 = arith.index_cast %and3A_304 : i32 to index
          %get3A_747 = arith.index_cast %add3A_427 : i32 to index
          %get3A_748 = arith.constant 32 : index
          %get3A_749 = tpu.vector_load %arg7[%get3A_746, %get3A_747, %get3A_748] {strides = array<i32>} : memref<2x128x128xi32, #tpu.memory_space<vmem>>, vector<16xi32>,
          %bitcast3A_750 = vector.bitcast %get3A_749 : vector<16xi32> to vector<32xbf16>
          %mul3A_751 = arith.mulf %mul3A_425, %bitcast3A_750 : vector<32xbf16>
          %get3A_752 = arith.index_cast %and3A_304 : i32 to index
          %get3A_753 = arith.index_cast %add3A_430 : i32 to index
          %get3A_754 = arith.constant 32 : index
          %get3A_755 = tpu.vector_load %arg7[%get3A_752, %get3A_753, %get3A_754] {strides = array<i32>} : memref<2x128x128xi32, #tpu.memory_space<vmem>>, vector<16xi32>,
          %bitcast3A_756 = vector.bitcast %get3A_755 : vector<16xi32> to vector<32xbf16>
          %mul3A_757 = arith.mulf %mul3A_428, %bitcast3A_756 : vector<32xbf16>
          %get3A_758 = arith.index_cast %and3A_304 : i32 to index
          %get3A_759 = arith.index_cast %add3A_433 : i32 to index
          %get3A_760 = arith.constant 32 : index
          %get3A_761 = tpu.vector_load %arg7[%get3A_758, %get3A_759, %get3A_760] {strides = array<i32>} : memref<2x128x128xi32, #tpu.memory_space<vmem>>, vector<16xi32>,
          %bitcast3A_762 = vector.bitcast %get3A_761 : vector<16xi32> to vector<32xbf16>
          %mul3A_763 = arith.mulf %mul3A_431, %bitcast3A_762 : vector<32xbf16>
          %get3A_764 = arith.index_cast %and3A_304 : i32 to index
          %get3A_765 = arith.index_cast %add3A_436 : i32 to index
          %get3A_766 = arith.constant 32 : index
          %get3A_767 = tpu.vector_load %arg7[%get3A_764, %get3A_765, %get3A_766] {strides = array<i32>} : memref<2x128x128xi32, #tpu.memory_space<vmem>>, vector<16xi32>,
          %bitcast3A_768 = vector.bitcast %get3A_767 : vector<16xi32> to vector<32xbf16>
          %mul3A_769 = arith.mulf %mul3A_434, %bitcast3A_768 : vector<32xbf16>
          %get3A_770 = arith.index_cast %and3A_304 : i32 to index
          %get3A_771 = arith.index_cast %add3A_439 : i32 to index
          %get3A_772 = arith.constant 32 : index
          %get3A_773 = tpu.vector_load %arg7[%get3A_770, %get3A_771, %get3A_772] {strides = array<i32>} : memref<2x128x128xi32, #tpu.memory_space<vmem>>, vector<16xi32>,
          %bitcast3A_774 = vector.bitcast %get3A_773 : vector<16xi32> to vector<32xbf16>
          %mul3A_775 = arith.mulf %mul3A_437, %bitcast3A_774 : vector<32xbf16>
          %get3A_776 = arith.index_cast %and3A_304 : i32 to index
          %get3A_777 = arith.index_cast %add3A_442 : i32 to index
          %get3A_778 = arith.constant 32 : index
          %get3A_779 = tpu.vector_load %arg7[%get3A_776, %get3A_777, %get3A_778] {strides = array<i32>} : memref<2x128x128xi32, #tpu.memory_space<vmem>>, vector<16xi32>,
          %bitcast3A_780 = vector.bitcast %get3A_779 : vector<16xi32> to vector<32xbf16>
          %mul3A_781 = arith.mulf %mul3A_440, %bitcast3A_780 : vector<32xbf16>
          %get3A_782 = arith.index_cast %and3A_304 : i32 to index
          %get3A_783 = arith.index_cast %add3A_445 : i32 to index
          %get3A_784 = arith.constant 32 : index
          %get3A_785 = tpu.vector_load %arg7[%get3A_782, %get3A_783, %get3A_784] {strides = array<i32>} : memref<2x128x128xi32, #tpu.memory_space<vmem>>, vector<16xi32>,
          %bitcast3A_786 = vector.bitcast %get3A_785 : vector<16xi32> to vector<32xbf16>
          %mul3A_787 = arith.mulf %mul3A_443, %bitcast3A_786 : vector<32xbf16>
          %get3A_788 = arith.index_cast %and3A_304 : i32 to index
          %get3A_789 = arith.index_cast %add3A_482 : i32 to index
          %get3A_790 = arith.constant 32 : index
          %get3A_791 = tpu.vector_load %arg7[%get3A_788, %get3A_789, %get3A_790] {strides = array<i32>} : memref<2x128x128xi32, #tpu.memory_space<vmem>>, vector<16xi32>,
          %bitcast3A_792 = vector.bitcast %get3A_791 : vector<16xi32> to vector<32xbf16>
          %mul3A_793 = arith.mulf %mul3A_480, %bitcast3A_792 : vector<32xbf16>
          %get3A_794 = arith.index_cast %and3A_304 : i32 to index
          %get3A_795 = arith.index_cast %add3A_485 : i32 to index
          %get3A_796 = arith.constant 32 : index
          %get3A_797 = tpu.vector_load %arg7[%get3A_794, %get3A_795, %get3A_796] {strides = array<i32>} : memref<2x128x128xi32, #tpu.memory_space<vmem>>, vector<16xi32>,
          %bitcast3A_798 = vector.bitcast %get3A_797 : vector<16xi32> to vector<32xbf16>
          %mul3A_799 = arith.mulf %mul3A_483, %bitcast3A_798 : vector<32xbf16>
          %get3A_800 = arith.index_cast %and3A_304 : i32 to index
          %get3A_801 = arith.index_cast %add3A_488 : i32 to index
          %get3A_802 = arith.constant 32 : index
          %get3A_803 = tpu.vector_load %arg7[%get3A_800, %get3A_801, %get3A_802] {strides = array<i32>} : memref<2x128x128xi32, #tpu.memory_space<vmem>>, vector<16xi32>,
          %bitcast3A_804 = vector.bitcast %get3A_803 : vector<16xi32> to vector<32xbf16>
          %mul3A_805 = arith.mulf %mul3A_486, %bitcast3A_804 : vector<32xbf16>
          %get3A_806 = arith.index_cast %and3A_304 : i32 to index
          %get3A_807 = arith.index_cast %add3A_491 : i32 to index
          %get3A_808 = arith.constant 32 : index
          %get3A_809 = tpu.vector_load %arg7[%get3A_806, %get3A_807, %get3A_808] {strides = array<i32>} : memref<2x128x128xi32, #tpu.memory_space<vmem>>, vector<16xi32>,
          %bitcast3A_810 = vector.bitcast %get3A_809 : vector<16xi32> to vector<32xbf16>
          %mul3A_811 = arith.mulf %mul3A_489, %bitcast3A_810 : vector<32xbf16>
          %get3A_812 = arith.index_cast %and3A_304 : i32 to index
          %get3A_813 = arith.index_cast %add3A_494 : i32 to index
          %get3A_814 = arith.constant 32 : index
          %get3A_815 = tpu.vector_load %arg7[%get3A_812, %get3A_813, %get3A_814] {strides = array<i32>} : memref<2x128x128xi32, #tpu.memory_space<vmem>>, vector<16xi32>,
          %bitcast3A_816 = vector.bitcast %get3A_815 : vector<16xi32> to vector<32xbf16>
          %mul3A_817 = arith.mulf %mul3A_492, %bitcast3A_816 : vector<32xbf16>
          %get3A_818 = arith.index_cast %and3A_304 : i32 to index
          %get3A_819 = arith.index_cast %add3A_497 : i32 to index
          %get3A_820 = arith.constant 32 : index
          %get3A_821 = tpu.vector_load %arg7[%get3A_818, %get3A_819, %get3A_820] {strides = array<i32>} : memref<2x128x128xi32, #tpu.memory_space<vmem>>, vector<16xi32>,
          %bitcast3A_822 = vector.bitcast %get3A_821 : vector<16xi32> to vector<32xbf16>
          %mul3A_823 = arith.mulf %mul3A_495, %bitcast3A_822 : vector<32xbf16>
          %get3A_824 = arith.index_cast %and3A_304 : i32 to index
          %get3A_825 = arith.index_cast %add3A_500 : i32 to index
          %get3A_826 = arith.constant 32 : index
          %get3A_827 = tpu.vector_load %arg7[%get3A_824, %get3A_825, %get3A_826] {strides = array<i32>} : memref<2x128x128xi32, #tpu.memory_space<vmem>>, vector<16xi32>,
          %bitcast3A_828 = vector.bitcast %get3A_827 : vector<16xi32> to vector<32xbf16>
          %mul3A_829 = arith.mulf %mul3A_498, %bitcast3A_828 : vector<32xbf16>
          %get3A_830 = arith.index_cast %and3A_304 : i32 to index
          %get3A_831 = arith.index_cast %add3A_503 : i32 to index
          %get3A_832 = arith.constant 32 : index
          %get3A_833 = tpu.vector_load %arg7[%get3A_830, %get3A_831, %get3A_832] {strides = array<i32>} : memref<2x128x128xi32, #tpu.memory_space<vmem>>, vector<16xi32>,
          %bitcast3A_834 = vector.bitcast %get3A_833 : vector<16xi32> to vector<32xbf16>
          %mul3A_835 = arith.mulf %mul3A_501, %bitcast3A_834 : vector<32xbf16>
          %add3A_836 = arith.addf %mul3A_745, %mul3A_751 : vector<32xbf16>
          %add3A_837 = arith.addf %mul3A_757, %mul3A_763 : vector<32xbf16>
          %add3A_838 = arith.addf %mul3A_769, %mul3A_775 : vector<32xbf16>
          %add3A_839 = arith.addf %mul3A_781, %mul3A_787 : vector<32xbf16>
          %add3A_840 = arith.addf %mul3A_793, %mul3A_799 : vector<32xbf16>
          %add3A_841 = arith.addf %mul3A_805, %mul3A_811 : vector<32xbf16>
          %add3A_842 = arith.addf %mul3A_817, %mul3A_823 : vector<32xbf16>
          %add3A_843 = arith.addf %mul3A_829, %mul3A_835 : vector<32xbf16>
          %add3A_844 = arith.addf %add3A_836, %add3A_837 : vector<32xbf16>
          %add3A_845 = arith.addf %add3A_838, %add3A_839 : vector<32xbf16>
          %add3A_846 = arith.addf %add3A_840, %add3A_841 : vector<32xbf16>
          %add3A_847 = arith.addf %add3A_842, %add3A_843 : vector<32xbf16>
          %add3A_848 = arith.addf %add3A_844, %add3A_845 : vector<32xbf16>
          %add3A_849 = arith.addf %add3A_846, %add3A_847 : vector<32xbf16>
          %add3A_850 = arith.addf %add3A_848, %add3A_849 : vector<32xbf16>
          %bitcast3A_851 = vector.bitcast %add3A_850 : vector<32xbf16> to vector<16xi32>
          %mul3A_852 = arith.constant 7 : i32
          %mul3A_853 = arith.muli %scan3A_302, %mul3A_852 : i32
          %add3A_854 = arith.addi %mul3A_853, %scan3A_387 : i32
          %swap3A_855 = arith.index_cast %add3A_854 : i32 to index
          %swap3A_856 = arith.constant 32 : index
          %swap3A_857 = tpu.vector_load %arg8[%swap3A_855, %swap3A_856] {strides = array<i32>} : memref<49x128xi32, #tpu.memory_space<vmem>>, vector<16xi32>,
          tpu.vector_store %arg8[%swap3A_855, %swap3A_856], %bitcast3A_851 {strides = array<i32>} : memref<49x128xi32, #tpu.memory_space<vmem>>, vector<16xi32>,
          %get3A_858 = arith.index_cast %and3A_304 : i32 to index
          %get3A_859 = arith.index_cast %add3A_424 : i32 to index
          %get3A_860 = arith.constant 48 : index
          %get3A_861 = tpu.vector_load %arg7[%get3A_858, %get3A_859, %get3A_860] {strides = array<i32>} : memref<2x128x128xi32, #tpu.memory_space<vmem>>, vector<16xi32>,
          %bitcast3A_862 = vector.bitcast %get3A_861 : vector<16xi32> to vector<32xbf16>
          %mul3A_863 = arith.mulf %mul3A_422, %bitcast3A_862 : vector<32xbf16>
          %get3A_864 = arith.index_cast %and3A_304 : i32 to index
          %get3A_865 = arith.index_cast %add3A_427 : i32 to index
          %get3A_866 = arith.constant 48 : index
          %get3A_867 = tpu.vector_load %arg7[%get3A_864, %get3A_865, %get3A_866] {strides = array<i32>} : memref<2x128x128xi32, #tpu.memory_space<vmem>>, vector<16xi32>,
          %bitcast3A_868 = vector.bitcast %get3A_867 : vector<16xi32> to vector<32xbf16>
          %mul3A_869 = arith.mulf %mul3A_425, %bitcast3A_868 : vector<32xbf16>
          %get3A_870 = arith.index_cast %and3A_304 : i32 to index
          %get3A_871 = arith.index_cast %add3A_430 : i32 to index
          %get3A_872 = arith.constant 48 : index
          %get3A_873 = tpu.vector_load %arg7[%get3A_870, %get3A_871, %get3A_872] {strides = array<i32>} : memref<2x128x128xi32, #tpu.memory_space<vmem>>, vector<16xi32>,
          %bitcast3A_874 = vector.bitcast %get3A_873 : vector<16xi32> to vector<32xbf16>
          %mul3A_875 = arith.mulf %mul3A_428, %bitcast3A_874 : vector<32xbf16>
          %get3A_876 = arith.index_cast %and3A_304 : i32 to index
          %get3A_877 = arith.index_cast %add3A_433 : i32 to index
          %get3A_878 = arith.constant 48 : index
          %get3A_879 = tpu.vector_load %arg7[%get3A_876, %get3A_877, %get3A_878] {strides = array<i32>} : memref<2x128x128xi32, #tpu.memory_space<vmem>>, vector<16xi32>,
          %bitcast3A_880 = vector.bitcast %get3A_879 : vector<16xi32> to vector<32xbf16>
          %mul3A_881 = arith.mulf %mul3A_431, %bitcast3A_880 : vector<32xbf16>
          %get3A_882 = arith.index_cast %and3A_304 : i32 to index
          %get3A_883 = arith.index_cast %add3A_436 : i32 to index
          %get3A_884 = arith.constant 48 : index
          %get3A_885 = tpu.vector_load %arg7[%get3A_882, %get3A_883, %get3A_884] {strides = array<i32>} : memref<2x128x128xi32, #tpu.memory_space<vmem>>, vector<16xi32>,
          %bitcast3A_886 = vector.bitcast %get3A_885 : vector<16xi32> to vector<32xbf16>
          %mul3A_887 = arith.mulf %mul3A_434, %bitcast3A_886 : vector<32xbf16>
          %get3A_888 = arith.index_cast %and3A_304 : i32 to index
          %get3A_889 = arith.index_cast %add3A_439 : i32 to index
          %get3A_890 = arith.constant 48 : index
          %get3A_891 = tpu.vector_load %arg7[%get3A_888, %get3A_889, %get3A_890] {strides = array<i32>} : memref<2x128x128xi32, #tpu.memory_space<vmem>>, vector<16xi32>,
          %bitcast3A_892 = vector.bitcast %get3A_891 : vector<16xi32> to vector<32xbf16>
          %mul3A_893 = arith.mulf %mul3A_437, %bitcast3A_892 : vector<32xbf16>
          %get3A_894 = arith.index_cast %and3A_304 : i32 to index
          %get3A_895 = arith.index_cast %add3A_442 : i32 to index
          %get3A_896 = arith.constant 48 : index
          %get3A_897 = tpu.vector_load %arg7[%get3A_894, %get3A_895, %get3A_896] {strides = array<i32>} : memref<2x128x128xi32, #tpu.memory_space<vmem>>, vector<16xi32>,
          %bitcast3A_898 = vector.bitcast %get3A_897 : vector<16xi32> to vector<32xbf16>
          %mul3A_899 = arith.mulf %mul3A_440, %bitcast3A_898 : vector<32xbf16>
          %get3A_900 = arith.index_cast %and3A_304 : i32 to index
          %get3A_901 = arith.index_cast %add3A_445 : i32 to index
          %get3A_902 = arith.constant 48 : index
          %get3A_903 = tpu.vector_load %arg7[%get3A_900, %get3A_901, %get3A_902] {strides = array<i32>} : memref<2x128x128xi32, #tpu.memory_space<vmem>>, vector<16xi32>,
          %bitcast3A_904 = vector.bitcast %get3A_903 : vector<16xi32> to vector<32xbf16>
          %mul3A_905 = arith.mulf %mul3A_443, %bitcast3A_904 : vector<32xbf16>
          %get3A_906 = arith.index_cast %and3A_304 : i32 to index
          %get3A_907 = arith.index_cast %add3A_482 : i32 to index
          %get3A_908 = arith.constant 48 : index
          %get3A_909 = tpu.vector_load %arg7[%get3A_906, %get3A_907, %get3A_908] {strides = array<i32>} : memref<2x128x128xi32, #tpu.memory_space<vmem>>, vector<16xi32>,
          %bitcast3A_910 = vector.bitcast %get3A_909 : vector<16xi32> to vector<32xbf16>
          %mul3A_911 = arith.mulf %mul3A_480, %bitcast3A_910 : vector<32xbf16>
          %get3A_912 = arith.index_cast %and3A_304 : i32 to index
          %get3A_913 = arith.index_cast %add3A_485 : i32 to index
          %get3A_914 = arith.constant 48 : index
          %get3A_915 = tpu.vector_load %arg7[%get3A_912, %get3A_913, %get3A_914] {strides = array<i32>} : memref<2x128x128xi32, #tpu.memory_space<vmem>>, vector<16xi32>,
          %bitcast3A_916 = vector.bitcast %get3A_915 : vector<16xi32> to vector<32xbf16>
          %mul3A_917 = arith.mulf %mul3A_483, %bitcast3A_916 : vector<32xbf16>
          %get3A_918 = arith.index_cast %and3A_304 : i32 to index
          %get3A_919 = arith.index_cast %add3A_488 : i32 to index
          %get3A_920 = arith.constant 48 : index
          %get3A_921 = tpu.vector_load %arg7[%get3A_918, %get3A_919, %get3A_920] {strides = array<i32>} : memref<2x128x128xi32, #tpu.memory_space<vmem>>, vector<16xi32>,
          %bitcast3A_922 = vector.bitcast %get3A_921 : vector<16xi32> to vector<32xbf16>
          %mul3A_923 = arith.mulf %mul3A_486, %bitcast3A_922 : vector<32xbf16>
          %get3A_924 = arith.index_cast %and3A_304 : i32 to index
          %get3A_925 = arith.index_cast %add3A_491 : i32 to index
          %get3A_926 = arith.constant 48 : index
          %get3A_927 = tpu.vector_load %arg7[%get3A_924, %get3A_925, %get3A_926] {strides = array<i32>} : memref<2x128x128xi32, #tpu.memory_space<vmem>>, vector<16xi32>,
          %bitcast3A_928 = vector.bitcast %get3A_927 : vector<16xi32> to vector<32xbf16>
          %mul3A_929 = arith.mulf %mul3A_489, %bitcast3A_928 : vector<32xbf16>
          %get3A_930 = arith.index_cast %and3A_304 : i32 to index
          %get3A_931 = arith.index_cast %add3A_494 : i32 to index
          %get3A_932 = arith.constant 48 : index
          %get3A_933 = tpu.vector_load %arg7[%get3A_930, %get3A_931, %get3A_932] {strides = array<i32>} : memref<2x128x128xi32, #tpu.memory_space<vmem>>, vector<16xi32>,
          %bitcast3A_934 = vector.bitcast %get3A_933 : vector<16xi32> to vector<32xbf16>
          %mul3A_935 = arith.mulf %mul3A_492, %bitcast3A_934 : vector<32xbf16>
          %get3A_936 = arith.index_cast %and3A_304 : i32 to index
          %get3A_937 = arith.index_cast %add3A_497 : i32 to index
          %get3A_938 = arith.constant 48 : index
          %get3A_939 = tpu.vector_load %arg7[%get3A_936, %get3A_937, %get3A_938] {strides = array<i32>} : memref<2x128x128xi32, #tpu.memory_space<vmem>>, vector<16xi32>,
          %bitcast3A_940 = vector.bitcast %get3A_939 : vector<16xi32> to vector<32xbf16>
          %mul3A_941 = arith.mulf %mul3A_495, %bitcast3A_940 : vector<32xbf16>
          %get3A_942 = arith.index_cast %and3A_304 : i32 to index
          %get3A_943 = arith.index_cast %add3A_500 : i32 to index
          %get3A_944 = arith.constant 48 : index
          %get3A_945 = tpu.vector_load %arg7[%get3A_942, %get3A_943, %get3A_944] {strides = array<i32>} : memref<2x128x128xi32, #tpu.memory_space<vmem>>, vector<16xi32>,
          %bitcast3A_946 = vector.bitcast %get3A_945 : vector<16xi32> to vector<32xbf16>
          %mul3A_947 = arith.mulf %mul3A_498, %bitcast3A_946 : vector<32xbf16>
          %get3A_948 = arith.index_cast %and3A_304 : i32 to index
          %get3A_949 = arith.index_cast %add3A_503 : i32 to index
          %get3A_950 = arith.constant 48 : index
          %get3A_951 = tpu.vector_load %arg7[%get3A_948, %get3A_949, %get3A_950] {strides = array<i32>} : memref<2x128x128xi32, #tpu.memory_space<vmem>>, vector<16xi32>,
          %bitcast3A_952 = vector.bitcast %get3A_951 : vector<16xi32> to vector<32xbf16>
          %mul3A_953 = arith.mulf %mul3A_501, %bitcast3A_952 : vector<32xbf16>
          %add3A_954 = arith.addf %mul3A_863, %mul3A_869 : vector<32xbf16>
          %add3A_955 = arith.addf %mul3A_875, %mul3A_881 : vector<32xbf16>
          %add3A_956 = arith.addf %mul3A_887, %mul3A_893 : vector<32xbf16>
          %add3A_957 = arith.addf %mul3A_899, %mul3A_905 : vector<32xbf16>
          %add3A_958 = arith.addf %mul3A_911, %mul3A_917 : vector<32xbf16>
          %add3A_959 = arith.addf %mul3A_923, %mul3A_929 : vector<32xbf16>
          %add3A_960 = arith.addf %mul3A_935, %mul3A_941 : vector<32xbf16>
          %add3A_961 = arith.addf %mul3A_947, %mul3A_953 : vector<32xbf16>
          %add3A_962 = arith.addf %add3A_954, %add3A_955 : vector<32xbf16>
          %add3A_963 = arith.addf %add3A_956, %add3A_957 : vector<32xbf16>
          %add3A_964 = arith.addf %add3A_958, %add3A_959 : vector<32xbf16>
          %add3A_965 = arith.addf %add3A_960, %add3A_961 : vector<32xbf16>
          %add3A_966 = arith.addf %add3A_962, %add3A_963 : vector<32xbf16>
          %add3A_967 = arith.addf %add3A_964, %add3A_965 : vector<32xbf16>
          %add3A_968 = arith.addf %add3A_966, %add3A_967 : vector<32xbf16>
          %bitcast3A_969 = vector.bitcast %add3A_968 : vector<32xbf16> to vector<16xi32>
          %mul3A_970 = arith.constant 7 : i32
          %mul3A_971 = arith.muli %scan3A_302, %mul3A_970 : i32
          %add3A_972 = arith.addi %mul3A_971, %scan3A_387 : i32
          %swap3A_973 = arith.index_cast %add3A_972 : i32 to index
          %swap3A_974 = arith.constant 48 : index
          %swap3A_975 = tpu.vector_load %arg8[%swap3A_973, %swap3A_974] {strides = array<i32>} : memref<49x128xi32, #tpu.memory_space<vmem>>, vector<16xi32>,
          tpu.vector_store %arg8[%swap3A_973, %swap3A_974], %bitcast3A_969 {strides = array<i32>} : memref<49x128xi32, #tpu.memory_space<vmem>>, vector<16xi32>,
          %get3A_976 = arith.index_cast %and3A_304 : i32 to index
          %get3A_977 = arith.index_cast %add3A_424 : i32 to index
          %get3A_978 = arith.constant 64 : index
          %get3A_979 = tpu.vector_load %arg7[%get3A_976, %get3A_977, %get3A_978] {strides = array<i32>} : memref<2x128x128xi32, #tpu.memory_space<vmem>>, vector<16xi32>,
          %bitcast3A_980 = vector.bitcast %get3A_979 : vector<16xi32> to vector<32xbf16>
          %mul3A_981 = arith.mulf %mul3A_422, %bitcast3A_980 : vector<32xbf16>
          %get3A_982 = arith.index_cast %and3A_304 : i32 to index
          %get3A_983 = arith.index_cast %add3A_427 : i32 to index
          %get3A_984 = arith.constant 64 : index
          %get3A_985 = tpu.vector_load %arg7[%get3A_982, %get3A_983, %get3A_984] {strides = array<i32>} : memref<2x128x128xi32, #tpu.memory_space<vmem>>, vector<16xi32>,
          %bitcast3A_986 = vector.bitcast %get3A_985 : vector<16xi32> to vector<32xbf16>
          %mul3A_987 = arith.mulf %mul3A_425, %bitcast3A_986 : vector<32xbf16>
          %get3A_988 = arith.index_cast %and3A_304 : i32 to index
          %get3A_989 = arith.index_cast %add3A_430 : i32 to index
          %get3A_990 = arith.constant 64 : index
          %get3A_991 = tpu.vector_load %arg7[%get3A_988, %get3A_989, %get3A_990] {strides = array<i32>} : memref<2x128x128xi32, #tpu.memory_space<vmem>>, vector<16xi32>,
          %bitcast3A_992 = vector.bitcast %get3A_991 : vector<16xi32> to vector<32xbf16>
          %mul3A_993 = arith.mulf %mul3A_428, %bitcast3A_992 : vector<32xbf16>
          %get3A_994 = arith.index_cast %and3A_304 : i32 to index
          %get3A_995 = arith.index_cast %add3A_433 : i32 to index
          %get3A_996 = arith.constant 64 : index
          %get3A_997 = tpu.vector_load %arg7[%get3A_994, %get3A_995, %get3A_996] {strides = array<i32>} : memref<2x128x128xi32, #tpu.memory_space<vmem>>, vector<16xi32>,
          %bitcast3A_998 = vector.bitcast %get3A_997 : vector<16xi32> to vector<32xbf16>
          %mul3A_999 = arith.mulf %mul3A_431, %bitcast3A_998 : vector<32xbf16>
          %get3A_1000 = arith.index_cast %and3A_304 : i32 to index
          %get3A_1001 = arith.index_cast %add3A_436 : i32 to index
          %get3A_1002 = arith.constant 64 : index
          %get3A_1003 = tpu.vector_load %arg7[%get3A_1000, %get3A_1001, %get3A_1002] {strides = array<i32>} : memref<2x128x128xi32, #tpu.memory_space<vmem>>, vector<16xi32>,
          %bitcast3A_1004 = vector.bitcast %get3A_1003 : vector<16xi32> to vector<32xbf16>
          %mul3A_1005 = arith.mulf %mul3A_434, %bitcast3A_1004 : vector<32xbf16>
          %get3A_1006 = arith.index_cast %and3A_304 : i32 to index
          %get3A_1007 = arith.index_cast %add3A_439 : i32 to index
          %get3A_1008 = arith.constant 64 : index
          %get3A_1009 = tpu.vector_load %arg7[%get3A_1006, %get3A_1007, %get3A_1008] {strides = array<i32>} : memref<2x128x128xi32, #tpu.memory_space<vmem>>, vector<16xi32>,
          %bitcast3A_1010 = vector.bitcast %get3A_1009 : vector<16xi32> to vector<32xbf16>
          %mul3A_1011 = arith.mulf %mul3A_437, %bitcast3A_1010 : vector<32xbf16>
          %get3A_1012 = arith.index_cast %and3A_304 : i32 to index
          %get3A_1013 = arith.index_cast %add3A_442 : i32 to index
          %get3A_1014 = arith.constant 64 : index
          %get3A_1015 = tpu.vector_load %arg7[%get3A_1012, %get3A_1013, %get3A_1014] {strides = array<i32>} : memref<2x128x128xi32, #tpu.memory_space<vmem>>, vector<16xi32>,
          %bitcast3A_1016 = vector.bitcast %get3A_1015 : vector<16xi32> to vector<32xbf16>
          %mul3A_1017 = arith.mulf %mul3A_440, %bitcast3A_1016 : vector<32xbf16>
          %get3A_1018 = arith.index_cast %and3A_304 : i32 to index
          %get3A_1019 = arith.index_cast %add3A_445 : i32 to index
          %get3A_1020 = arith.constant 64 : index
          %get3A_1021 = tpu.vector_load %arg7[%get3A_1018, %get3A_1019, %get3A_1020] {strides = array<i32>} : memref<2x128x128xi32, #tpu.memory_space<vmem>>, vector<16xi32>,
          %bitcast3A_1022 = vector.bitcast %get3A_1021 : vector<16xi32> to vector<32xbf16>
          %mul3A_1023 = arith.mulf %mul3A_443, %bitcast3A_1022 : vector<32xbf16>
          %get3A_1024 = arith.index_cast %and3A_304 : i32 to index
          %get3A_1025 = arith.index_cast %add3A_482 : i32 to index
          %get3A_1026 = arith.constant 64 : index
          %get3A_1027 = tpu.vector_load %arg7[%get3A_1024, %get3A_1025, %get3A_1026] {strides = array<i32>} : memref<2x128x128xi32, #tpu.memory_space<vmem>>, vector<16xi32>,
          %bitcast3A_1028 = vector.bitcast %get3A_1027 : vector<16xi32> to vector<32xbf16>
          %mul3A_1029 = arith.mulf %mul3A_480, %bitcast3A_1028 : vector<32xbf16>
          %get3A_1030 = arith.index_cast %and3A_304 : i32 to index
          %get3A_1031 = arith.index_cast %add3A_485 : i32 to index
          %get3A_1032 = arith.constant 64 : index
          %get3A_1033 = tpu.vector_load %arg7[%get3A_1030, %get3A_1031, %get3A_1032] {strides = array<i32>} : memref<2x128x128xi32, #tpu.memory_space<vmem>>, vector<16xi32>,
          %bitcast3A_1034 = vector.bitcast %get3A_1033 : vector<16xi32> to vector<32xbf16>
          %mul3A_1035 = arith.mulf %mul3A_483, %bitcast3A_1034 : vector<32xbf16>
          %get3A_1036 = arith.index_cast %and3A_304 : i32 to index
          %get3A_1037 = arith.index_cast %add3A_488 : i32 to index
          %get3A_1038 = arith.constant 64 : index
          %get3A_1039 = tpu.vector_load %arg7[%get3A_1036, %get3A_1037, %get3A_1038] {strides = array<i32>} : memref<2x128x128xi32, #tpu.memory_space<vmem>>, vector<16xi32>,
          %bitcast3A_1040 = vector.bitcast %get3A_1039 : vector<16xi32> to vector<32xbf16>
          %mul3A_1041 = arith.mulf %mul3A_486, %bitcast3A_1040 : vector<32xbf16>
          %get3A_1042 = arith.index_cast %and3A_304 : i32 to index
          %get3A_1043 = arith.index_cast %add3A_491 : i32 to index
          %get3A_1044 = arith.constant 64 : index
          %get3A_1045 = tpu.vector_load %arg7[%get3A_1042, %get3A_1043, %get3A_1044] {strides = array<i32>} : memref<2x128x128xi32, #tpu.memory_space<vmem>>, vector<16xi32>,
          %bitcast3A_1046 = vector.bitcast %get3A_1045 : vector<16xi32> to vector<32xbf16>
          %mul3A_1047 = arith.mulf %mul3A_489, %bitcast3A_1046 : vector<32xbf16>
          %get3A_1048 = arith.index_cast %and3A_304 : i32 to index
          %get3A_1049 = arith.index_cast %add3A_494 : i32 to index
          %get3A_1050 = arith.constant 64 : index
          %get3A_1051 = tpu.vector_load %arg7[%get3A_1048, %get3A_1049, %get3A_1050] {strides = array<i32>} : memref<2x128x128xi32, #tpu.memory_space<vmem>>, vector<16xi32>,
          %bitcast3A_1052 = vector.bitcast %get3A_1051 : vector<16xi32> to vector<32xbf16>
          %mul3A_1053 = arith.mulf %mul3A_492, %bitcast3A_1052 : vector<32xbf16>
          %get3A_1054 = arith.index_cast %and3A_304 : i32 to index
          %get3A_1055 = arith.index_cast %add3A_497 : i32 to index
          %get3A_1056 = arith.constant 64 : index
          %get3A_1057 = tpu.vector_load %arg7[%get3A_1054, %get3A_1055, %get3A_1056] {strides = array<i32>} : memref<2x128x128xi32, #tpu.memory_space<vmem>>, vector<16xi32>,
          %bitcast3A_1058 = vector.bitcast %get3A_1057 : vector<16xi32> to vector<32xbf16>
          %mul3A_1059 = arith.mulf %mul3A_495, %bitcast3A_1058 : vector<32xbf16>
          %get3A_1060 = arith.index_cast %and3A_304 : i32 to index
          %get3A_1061 = arith.index_cast %add3A_500 : i32 to index
          %get3A_1062 = arith.constant 64 : index
          %get3A_1063 = tpu.vector_load %arg7[%get3A_1060, %get3A_1061, %get3A_1062] {strides = array<i32>} : memref<2x128x128xi32, #tpu.memory_space<vmem>>, vector<16xi32>,
          %bitcast3A_1064 = vector.bitcast %get3A_1063 : vector<16xi32> to vector<32xbf16>
          %mul3A_1065 = arith.mulf %mul3A_498, %bitcast3A_1064 : vector<32xbf16>
          %get3A_1066 = arith.index_cast %and3A_304 : i32 to index
          %get3A_1067 = arith.index_cast %add3A_503 : i32 to index
          %get3A_1068 = arith.constant 64 : index
          %get3A_1069 = tpu.vector_load %arg7[%get3A_1066, %get3A_1067, %get3A_1068] {strides = array<i32>} : memref<2x128x128xi32, #tpu.memory_space<vmem>>, vector<16xi32>,
          %bitcast3A_1070 = vector.bitcast %get3A_1069 : vector<16xi32> to vector<32xbf16>
          %mul3A_1071 = arith.mulf %mul3A_501, %bitcast3A_1070 : vector<32xbf16>
          %add3A_1072 = arith.addf %mul3A_981, %mul3A_987 : vector<32xbf16>
          %add3A_1073 = arith.addf %mul3A_993, %mul3A_999 : vector<32xbf16>
          %add3A_1074 = arith.addf %mul3A_1005, %mul3A_1011 : vector<32xbf16>
          %add3A_1075 = arith.addf %mul3A_1017, %mul3A_1023 : vector<32xbf16>
          %add3A_1076 = arith.addf %mul3A_1029, %mul3A_1035 : vector<32xbf16>
          %add3A_1077 = arith.addf %mul3A_1041, %mul3A_1047 : vector<32xbf16>
          %add3A_1078 = arith.addf %mul3A_1053, %mul3A_1059 : vector<32xbf16>
          %add3A_1079 = arith.addf %mul3A_1065, %mul3A_1071 : vector<32xbf16>
          %add3A_1080 = arith.addf %add3A_1072, %add3A_1073 : vector<32xbf16>
          %add3A_1081 = arith.addf %add3A_1074, %add3A_1075 : vector<32xbf16>
          %add3A_1082 = arith.addf %add3A_1076, %add3A_1077 : vector<32xbf16>
          %add3A_1083 = arith.addf %add3A_1078, %add3A_1079 : vector<32xbf16>
          %add3A_1084 = arith.addf %add3A_1080, %add3A_1081 : vector<32xbf16>
          %add3A_1085 = arith.addf %add3A_1082, %add3A_1083 : vector<32xbf16>
          %add3A_1086 = arith.addf %add3A_1084, %add3A_1085 : vector<32xbf16>
          %bitcast3A_1087 = vector.bitcast %add3A_1086 : vector<32xbf16> to vector<16xi32>
          %mul3A_1088 = arith.constant 7 : i32
          %mul3A_1089 = arith.muli %scan3A_302, %mul3A_1088 : i32
          %add3A_1090 = arith.addi %mul3A_1089, %scan3A_387 : i32
          %swap3A_1091 = arith.index_cast %add3A_1090 : i32 to index
          %swap3A_1092 = arith.constant 64 : index
          %swap3A_1093 = tpu.vector_load %arg8[%swap3A_1091, %swap3A_1092] {strides = array<i32>} : memref<49x128xi32, #tpu.memory_space<vmem>>, vector<16xi32>,
          tpu.vector_store %arg8[%swap3A_1091, %swap3A_1092], %bitcast3A_1087 {strides = array<i32>} : memref<49x128xi32, #tpu.memory_space<vmem>>, vector<16xi32>,
          %get3A_1094 = arith.index_cast %and3A_304 : i32 to index
          %get3A_1095 = arith.index_cast %add3A_424 : i32 to index
          %get3A_1096 = arith.constant 80 : index
          %get3A_1097 = tpu.vector_load %arg7[%get3A_1094, %get3A_1095, %get3A_1096] {strides = array<i32>} : memref<2x128x128xi32, #tpu.memory_space<vmem>>, vector<16xi32>,
          %bitcast3A_1098 = vector.bitcast %get3A_1097 : vector<16xi32> to vector<32xbf16>
          %mul3A_1099 = arith.mulf %mul3A_422, %bitcast3A_1098 : vector<32xbf16>
          %get3A_1100 = arith.index_cast %and3A_304 : i32 to index
          %get3A_1101 = arith.index_cast %add3A_427 : i32 to index
          %get3A_1102 = arith.constant 80 : index
          %get3A_1103 = tpu.vector_load %arg7[%get3A_1100, %get3A_1101, %get3A_1102] {strides = array<i32>} : memref<2x128x128xi32, #tpu.memory_space<vmem>>, vector<16xi32>,
          %bitcast3A_1104 = vector.bitcast %get3A_1103 : vector<16xi32> to vector<32xbf16>
          %mul3A_1105 = arith.mulf %mul3A_425, %bitcast3A_1104 : vector<32xbf16>
          %get3A_1106 = arith.index_cast %and3A_304 : i32 to index
          %get3A_1107 = arith.index_cast %add3A_430 : i32 to index
          %get3A_1108 = arith.constant 80 : index
          %get3A_1109 = tpu.vector_load %arg7[%get3A_1106, %get3A_1107, %get3A_1108] {strides = array<i32>} : memref<2x128x128xi32, #tpu.memory_space<vmem>>, vector<16xi32>,
          %bitcast3A_1110 = vector.bitcast %get3A_1109 : vector<16xi32> to vector<32xbf16>
          %mul3A_1111 = arith.mulf %mul3A_428, %bitcast3A_1110 : vector<32xbf16>
          %get3A_1112 = arith.index_cast %and3A_304 : i32 to index
          %get3A_1113 = arith.index_cast %add3A_433 : i32 to index
          %get3A_1114 = arith.constant 80 : index
          %get3A_1115 = tpu.vector_load %arg7[%get3A_1112, %get3A_1113, %get3A_1114] {strides = array<i32>} : memref<2x128x128xi32, #tpu.memory_space<vmem>>, vector<16xi32>,
          %bitcast3A_1116 = vector.bitcast %get3A_1115 : vector<16xi32> to vector<32xbf16>
          %mul3A_1117 = arith.mulf %mul3A_431, %bitcast3A_1116 : vector<32xbf16>
          %get3A_1118 = arith.index_cast %and3A_304 : i32 to index
          %get3A_1119 = arith.index_cast %add3A_436 : i32 to index
          %get3A_1120 = arith.constant 80 : index
          %get3A_1121 = tpu.vector_load %arg7[%get3A_1118, %get3A_1119, %get3A_1120] {strides = array<i32>} : memref<2x128x128xi32, #tpu.memory_space<vmem>>, vector<16xi32>,
          %bitcast3A_1122 = vector.bitcast %get3A_1121 : vector<16xi32> to vector<32xbf16>
          %mul3A_1123 = arith.mulf %mul3A_434, %bitcast3A_1122 : vector<32xbf16>
          %get3A_1124 = arith.index_cast %and3A_304 : i32 to index
          %get3A_1125 = arith.index_cast %add3A_439 : i32 to index
          %get3A_1126 = arith.constant 80 : index
          %get3A_1127 = tpu.vector_load %arg7[%get3A_1124, %get3A_1125, %get3A_1126] {strides = array<i32>} : memref<2x128x128xi32, #tpu.memory_space<vmem>>, vector<16xi32>,
          %bitcast3A_1128 = vector.bitcast %get3A_1127 : vector<16xi32> to vector<32xbf16>
          %mul3A_1129 = arith.mulf %mul3A_437, %bitcast3A_1128 : vector<32xbf16>
          %get3A_1130 = arith.index_cast %and3A_304 : i32 to index
          %get3A_1131 = arith.index_cast %add3A_442 : i32 to index
          %get3A_1132 = arith.constant 80 : index
          %get3A_1133 = tpu.vector_load %arg7[%get3A_1130, %get3A_1131, %get3A_1132] {strides = array<i32>} : memref<2x128x128xi32, #tpu.memory_space<vmem>>, vector<16xi32>,
          %bitcast3A_1134 = vector.bitcast %get3A_1133 : vector<16xi32> to vector<32xbf16>
          %mul3A_1135 = arith.mulf %mul3A_440, %bitcast3A_1134 : vector<32xbf16>
          %get3A_1136 = arith.index_cast %and3A_304 : i32 to index
          %get3A_1137 = arith.index_cast %add3A_445 : i32 to index
          %get3A_1138 = arith.constant 80 : index
          %get3A_1139 = tpu.vector_load %arg7[%get3A_1136, %get3A_1137, %get3A_1138] {strides = array<i32>} : memref<2x128x128xi32, #tpu.memory_space<vmem>>, vector<16xi32>,
          %bitcast3A_1140 = vector.bitcast %get3A_1139 : vector<16xi32> to vector<32xbf16>
          %mul3A_1141 = arith.mulf %mul3A_443, %bitcast3A_1140 : vector<32xbf16>
          %get3A_1142 = arith.index_cast %and3A_304 : i32 to index
          %get3A_1143 = arith.index_cast %add3A_482 : i32 to index
          %get3A_1144 = arith.constant 80 : index
          %get3A_1145 = tpu.vector_load %arg7[%get3A_1142, %get3A_1143, %get3A_1144] {strides = array<i32>} : memref<2x128x128xi32, #tpu.memory_space<vmem>>, vector<16xi32>,
          %bitcast3A_1146 = vector.bitcast %get3A_1145 : vector<16xi32> to vector<32xbf16>
          %mul3A_1147 = arith.mulf %mul3A_480, %bitcast3A_1146 : vector<32xbf16>
          %get3A_1148 = arith.index_cast %and3A_304 : i32 to index
          %get3A_1149 = arith.index_cast %add3A_485 : i32 to index
          %get3A_1150 = arith.constant 80 : index
          %get3A_1151 = tpu.vector_load %arg7[%get3A_1148, %get3A_1149, %get3A_1150] {strides = array<i32>} : memref<2x128x128xi32, #tpu.memory_space<vmem>>, vector<16xi32>,
          %bitcast3A_1152 = vector.bitcast %get3A_1151 : vector<16xi32> to vector<32xbf16>
          %mul3A_1153 = arith.mulf %mul3A_483, %bitcast3A_1152 : vector<32xbf16>
          %get3A_1154 = arith.index_cast %and3A_304 : i32 to index
          %get3A_1155 = arith.index_cast %add3A_488 : i32 to index
          %get3A_1156 = arith.constant 80 : index
          %get3A_1157 = tpu.vector_load %arg7[%get3A_1154, %get3A_1155, %get3A_1156] {strides = array<i32>} : memref<2x128x128xi32, #tpu.memory_space<vmem>>, vector<16xi32>,
          %bitcast3A_1158 = vector.bitcast %get3A_1157 : vector<16xi32> to vector<32xbf16>
          %mul3A_1159 = arith.mulf %mul3A_486, %bitcast3A_1158 : vector<32xbf16>
          %get3A_1160 = arith.index_cast %and3A_304 : i32 to index
          %get3A_1161 = arith.index_cast %add3A_491 : i32 to index
          %get3A_1162 = arith.constant 80 : index
          %get3A_1163 = tpu.vector_load %arg7[%get3A_1160, %get3A_1161, %get3A_1162] {strides = array<i32>} : memref<2x128x128xi32, #tpu.memory_space<vmem>>, vector<16xi32>,
          %bitcast3A_1164 = vector.bitcast %get3A_1163 : vector<16xi32> to vector<32xbf16>
          %mul3A_1165 = arith.mulf %mul3A_489, %bitcast3A_1164 : vector<32xbf16>
          %get3A_1166 = arith.index_cast %and3A_304 : i32 to index
          %get3A_1167 = arith.index_cast %add3A_494 : i32 to index
          %get3A_1168 = arith.constant 80 : index
          %get3A_1169 = tpu.vector_load %arg7[%get3A_1166, %get3A_1167, %get3A_1168] {strides = array<i32>} : memref<2x128x128xi32, #tpu.memory_space<vmem>>, vector<16xi32>,
          %bitcast3A_1170 = vector.bitcast %get3A_1169 : vector<16xi32> to vector<32xbf16>
          %mul3A_1171 = arith.mulf %mul3A_492, %bitcast3A_1170 : vector<32xbf16>
          %get3A_1172 = arith.index_cast %and3A_304 : i32 to index
          %get3A_1173 = arith.index_cast %add3A_497 : i32 to index
          %get3A_1174 = arith.constant 80 : index
          %get3A_1175 = tpu.vector_load %arg7[%get3A_1172, %get3A_1173, %get3A_1174] {strides = array<i32>} : memref<2x128x128xi32, #tpu.memory_space<vmem>>, vector<16xi32>,
          %bitcast3A_1176 = vector.bitcast %get3A_1175 : vector<16xi32> to vector<32xbf16>
          %mul3A_1177 = arith.mulf %mul3A_495, %bitcast3A_1176 : vector<32xbf16>
          %get3A_1178 = arith.index_cast %and3A_304 : i32 to index
          %get3A_1179 = arith.index_cast %add3A_500 : i32 to index
          %get3A_1180 = arith.constant 80 : index
          %get3A_1181 = tpu.vector_load %arg7[%get3A_1178, %get3A_1179, %get3A_1180] {strides = array<i32>} : memref<2x128x128xi32, #tpu.memory_space<vmem>>, vector<16xi32>,
          %bitcast3A_1182 = vector.bitcast %get3A_1181 : vector<16xi32> to vector<32xbf16>
          %mul3A_1183 = arith.mulf %mul3A_498, %bitcast3A_1182 : vector<32xbf16>
          %get3A_1184 = arith.index_cast %and3A_304 : i32 to index
          %get3A_1185 = arith.index_cast %add3A_503 : i32 to index
          %get3A_1186 = arith.constant 80 : index
          %get3A_1187 = tpu.vector_load %arg7[%get3A_1184, %get3A_1185, %get3A_1186] {strides = array<i32>} : memref<2x128x128xi32, #tpu.memory_space<vmem>>, vector<16xi32>,
          %bitcast3A_1188 = vector.bitcast %get3A_1187 : vector<16xi32> to vector<32xbf16>
          %mul3A_1189 = arith.mulf %mul3A_501, %bitcast3A_1188 : vector<32xbf16>
          %add3A_1190 = arith.addf %mul3A_1099, %mul3A_1105 : vector<32xbf16>
          %add3A_1191 = arith.addf %mul3A_1111, %mul3A_1117 : vector<32xbf16>
          %add3A_1192 = arith.addf %mul3A_1123, %mul3A_1129 : vector<32xbf16>
          %add3A_1193 = arith.addf %mul3A_1135, %mul3A_1141 : vector<32xbf16>
          %add3A_1194 = arith.addf %mul3A_1147, %mul3A_1153 : vector<32xbf16>
          %add3A_1195 = arith.addf %mul3A_1159, %mul3A_1165 : vector<32xbf16>
          %add3A_1196 = arith.addf %mul3A_1171, %mul3A_1177 : vector<32xbf16>
          %add3A_1197 = arith.addf %mul3A_1183, %mul3A_1189 : vector<32xbf16>
          %add3A_1198 = arith.addf %add3A_1190, %add3A_1191 : vector<32xbf16>
          %add3A_1199 = arith.addf %add3A_1192, %add3A_1193 : vector<32xbf16>
          %add3A_1200 = arith.addf %add3A_1194, %add3A_1195 : vector<32xbf16>
          %add3A_1201 = arith.addf %add3A_1196, %add3A_1197 : vector<32xbf16>
          %add3A_1202 = arith.addf %add3A_1198, %add3A_1199 : vector<32xbf16>
          %add3A_1203 = arith.addf %add3A_1200, %add3A_1201 : vector<32xbf16>
          %add3A_1204 = arith.addf %add3A_1202, %add3A_1203 : vector<32xbf16>
          %bitcast3A_1205 = vector.bitcast %add3A_1204 : vector<32xbf16> to vector<16xi32>
          %mul3A_1206 = arith.constant 7 : i32
          %mul3A_1207 = arith.muli %scan3A_302, %mul3A_1206 : i32
          %add3A_1208 = arith.addi %mul3A_1207, %scan3A_387 : i32
          %swap3A_1209 = arith.index_cast %add3A_1208 : i32 to index
          %swap3A_1210 = arith.constant 80 : index
          %swap3A_1211 = tpu.vector_load %arg8[%swap3A_1209, %swap3A_1210] {strides = array<i32>} : memref<49x128xi32, #tpu.memory_space<vmem>>, vector<16xi32>,
          tpu.vector_store %arg8[%swap3A_1209, %swap3A_1210], %bitcast3A_1205 {strides = array<i32>} : memref<49x128xi32, #tpu.memory_space<vmem>>, vector<16xi32>,
          %get3A_1212 = arith.index_cast %and3A_304 : i32 to index
          %get3A_1213 = arith.index_cast %add3A_424 : i32 to index
          %get3A_1214 = arith.constant 96 : index
          %get3A_1215 = tpu.vector_load %arg7[%get3A_1212, %get3A_1213, %get3A_1214] {strides = array<i32>} : memref<2x128x128xi32, #tpu.memory_space<vmem>>, vector<16xi32>,
          %bitcast3A_1216 = vector.bitcast %get3A_1215 : vector<16xi32> to vector<32xbf16>
          %mul3A_1217 = arith.mulf %mul3A_422, %bitcast3A_1216 : vector<32xbf16>
          %get3A_1218 = arith.index_cast %and3A_304 : i32 to index
          %get3A_1219 = arith.index_cast %add3A_427 : i32 to index
          %get3A_1220 = arith.constant 96 : index
          %get3A_1221 = tpu.vector_load %arg7[%get3A_1218, %get3A_1219, %get3A_1220] {strides = array<i32>} : memref<2x128x128xi32, #tpu.memory_space<vmem>>, vector<16xi32>,
          %bitcast3A_1222 = vector.bitcast %get3A_1221 : vector<16xi32> to vector<32xbf16>
          %mul3A_1223 = arith.mulf %mul3A_425, %bitcast3A_1222 : vector<32xbf16>
          %get3A_1224 = arith.index_cast %and3A_304 : i32 to index
          %get3A_1225 = arith.index_cast %add3A_430 : i32 to index
          %get3A_1226 = arith.constant 96 : index
          %get3A_1227 = tpu.vector_load %arg7[%get3A_1224, %get3A_1225, %get3A_1226] {strides = array<i32>} : memref<2x128x128xi32, #tpu.memory_space<vmem>>, vector<16xi32>,
          %bitcast3A_1228 = vector.bitcast %get3A_1227 : vector<16xi32> to vector<32xbf16>
          %mul3A_1229 = arith.mulf %mul3A_428, %bitcast3A_1228 : vector<32xbf16>
          %get3A_1230 = arith.index_cast %and3A_304 : i32 to index
          %get3A_1231 = arith.index_cast %add3A_433 : i32 to index
          %get3A_1232 = arith.constant 96 : index
          %get3A_1233 = tpu.vector_load %arg7[%get3A_1230, %get3A_1231, %get3A_1232] {strides = array<i32>} : memref<2x128x128xi32, #tpu.memory_space<vmem>>, vector<16xi32>,
          %bitcast3A_1234 = vector.bitcast %get3A_1233 : vector<16xi32> to vector<32xbf16>
          %mul3A_1235 = arith.mulf %mul3A_431, %bitcast3A_1234 : vector<32xbf16>
          %get3A_1236 = arith.index_cast %and3A_304 : i32 to index
          %get3A_1237 = arith.index_cast %add3A_436 : i32 to index
          %get3A_1238 = arith.constant 96 : index
          %get3A_1239 = tpu.vector_load %arg7[%get3A_1236, %get3A_1237, %get3A_1238] {strides = array<i32>} : memref<2x128x128xi32, #tpu.memory_space<vmem>>, vector<16xi32>,
          %bitcast3A_1240 = vector.bitcast %get3A_1239 : vector<16xi32> to vector<32xbf16>
          %mul3A_1241 = arith.mulf %mul3A_434, %bitcast3A_1240 : vector<32xbf16>
          %get3A_1242 = arith.index_cast %and3A_304 : i32 to index
          %get3A_1243 = arith.index_cast %add3A_439 : i32 to index
          %get3A_1244 = arith.constant 96 : index
          %get3A_1245 = tpu.vector_load %arg7[%get3A_1242, %get3A_1243, %get3A_1244] {strides = array<i32>} : memref<2x128x128xi32, #tpu.memory_space<vmem>>, vector<16xi32>,
          %bitcast3A_1246 = vector.bitcast %get3A_1245 : vector<16xi32> to vector<32xbf16>
          %mul3A_1247 = arith.mulf %mul3A_437, %bitcast3A_1246 : vector<32xbf16>
          %get3A_1248 = arith.index_cast %and3A_304 : i32 to index
          %get3A_1249 = arith.index_cast %add3A_442 : i32 to index
          %get3A_1250 = arith.constant 96 : index
          %get3A_1251 = tpu.vector_load %arg7[%get3A_1248, %get3A_1249, %get3A_1250] {strides = array<i32>} : memref<2x128x128xi32, #tpu.memory_space<vmem>>, vector<16xi32>,
          %bitcast3A_1252 = vector.bitcast %get3A_1251 : vector<16xi32> to vector<32xbf16>
          %mul3A_1253 = arith.mulf %mul3A_440, %bitcast3A_1252 : vector<32xbf16>
          %get3A_1254 = arith.index_cast %and3A_304 : i32 to index
          %get3A_1255 = arith.index_cast %add3A_445 : i32 to index
          %get3A_1256 = arith.constant 96 : index
          %get3A_1257 = tpu.vector_load %arg7[%get3A_1254, %get3A_1255, %get3A_1256] {strides = array<i32>} : memref<2x128x128xi32, #tpu.memory_space<vmem>>, vector<16xi32>,
          %bitcast3A_1258 = vector.bitcast %get3A_1257 : vector<16xi32> to vector<32xbf16>
          %mul3A_1259 = arith.mulf %mul3A_443, %bitcast3A_1258 : vector<32xbf16>
          %get3A_1260 = arith.index_cast %and3A_304 : i32 to index
          %get3A_1261 = arith.index_cast %add3A_482 : i32 to index
          %get3A_1262 = arith.constant 96 : index
          %get3A_1263 = tpu.vector_load %arg7[%get3A_1260, %get3A_1261, %get3A_1262] {strides = array<i32>} : memref<2x128x128xi32, #tpu.memory_space<vmem>>, vector<16xi32>,
          %bitcast3A_1264 = vector.bitcast %get3A_1263 : vector<16xi32> to vector<32xbf16>
          %mul3A_1265 = arith.mulf %mul3A_480, %bitcast3A_1264 : vector<32xbf16>
          %get3A_1266 = arith.index_cast %and3A_304 : i32 to index
          %get3A_1267 = arith.index_cast %add3A_485 : i32 to index
          %get3A_1268 = arith.constant 96 : index
          %get3A_1269 = tpu.vector_load %arg7[%get3A_1266, %get3A_1267, %get3A_1268] {strides = array<i32>} : memref<2x128x128xi32, #tpu.memory_space<vmem>>, vector<16xi32>,
          %bitcast3A_1270 = vector.bitcast %get3A_1269 : vector<16xi32> to vector<32xbf16>
          %mul3A_1271 = arith.mulf %mul3A_483, %bitcast3A_1270 : vector<32xbf16>
          %get3A_1272 = arith.index_cast %and3A_304 : i32 to index
          %get3A_1273 = arith.index_cast %add3A_488 : i32 to index
          %get3A_1274 = arith.constant 96 : index
          %get3A_1275 = tpu.vector_load %arg7[%get3A_1272, %get3A_1273, %get3A_1274] {strides = array<i32>} : memref<2x128x128xi32, #tpu.memory_space<vmem>>, vector<16xi32>,
          %bitcast3A_1276 = vector.bitcast %get3A_1275 : vector<16xi32> to vector<32xbf16>
          %mul3A_1277 = arith.mulf %mul3A_486, %bitcast3A_1276 : vector<32xbf16>
          %get3A_1278 = arith.index_cast %and3A_304 : i32 to index
          %get3A_1279 = arith.index_cast %add3A_491 : i32 to index
          %get3A_1280 = arith.constant 96 : index
          %get3A_1281 = tpu.vector_load %arg7[%get3A_1278, %get3A_1279, %get3A_1280] {strides = array<i32>} : memref<2x128x128xi32, #tpu.memory_space<vmem>>, vector<16xi32>,
          %bitcast3A_1282 = vector.bitcast %get3A_1281 : vector<16xi32> to vector<32xbf16>
          %mul3A_1283 = arith.mulf %mul3A_489, %bitcast3A_1282 : vector<32xbf16>
          %get3A_1284 = arith.index_cast %and3A_304 : i32 to index
          %get3A_1285 = arith.index_cast %add3A_494 : i32 to index
          %get3A_1286 = arith.constant 96 : index
          %get3A_1287 = tpu.vector_load %arg7[%get3A_1284, %get3A_1285, %get3A_1286] {strides = array<i32>} : memref<2x128x128xi32, #tpu.memory_space<vmem>>, vector<16xi32>,
          %bitcast3A_1288 = vector.bitcast %get3A_1287 : vector<16xi32> to vector<32xbf16>
          %mul3A_1289 = arith.mulf %mul3A_492, %bitcast3A_1288 : vector<32xbf16>
          %get3A_1290 = arith.index_cast %and3A_304 : i32 to index
          %get3A_1291 = arith.index_cast %add3A_497 : i32 to index
          %get3A_1292 = arith.constant 96 : index
          %get3A_1293 = tpu.vector_load %arg7[%get3A_1290, %get3A_1291, %get3A_1292] {strides = array<i32>} : memref<2x128x128xi32, #tpu.memory_space<vmem>>, vector<16xi32>,
          %bitcast3A_1294 = vector.bitcast %get3A_1293 : vector<16xi32> to vector<32xbf16>
          %mul3A_1295 = arith.mulf %mul3A_495, %bitcast3A_1294 : vector<32xbf16>
          %get3A_1296 = arith.index_cast %and3A_304 : i32 to index
          %get3A_1297 = arith.index_cast %add3A_500 : i32 to index
          %get3A_1298 = arith.constant 96 : index
          %get3A_1299 = tpu.vector_load %arg7[%get3A_1296, %get3A_1297, %get3A_1298] {strides = array<i32>} : memref<2x128x128xi32, #tpu.memory_space<vmem>>, vector<16xi32>,
          %bitcast3A_1300 = vector.bitcast %get3A_1299 : vector<16xi32> to vector<32xbf16>
          %mul3A_1301 = arith.mulf %mul3A_498, %bitcast3A_1300 : vector<32xbf16>
          %get3A_1302 = arith.index_cast %and3A_304 : i32 to index
          %get3A_1303 = arith.index_cast %add3A_503 : i32 to index
          %get3A_1304 = arith.constant 96 : index
          %get3A_1305 = tpu.vector_load %arg7[%get3A_1302, %get3A_1303, %get3A_1304] {strides = array<i32>} : memref<2x128x128xi32, #tpu.memory_space<vmem>>, vector<16xi32>,
          %bitcast3A_1306 = vector.bitcast %get3A_1305 : vector<16xi32> to vector<32xbf16>
          %mul3A_1307 = arith.mulf %mul3A_501, %bitcast3A_1306 : vector<32xbf16>
          %add3A_1308 = arith.addf %mul3A_1217, %mul3A_1223 : vector<32xbf16>
          %add3A_1309 = arith.addf %mul3A_1229, %mul3A_1235 : vector<32xbf16>
          %add3A_1310 = arith.addf %mul3A_1241, %mul3A_1247 : vector<32xbf16>
          %add3A_1311 = arith.addf %mul3A_1253, %mul3A_1259 : vector<32xbf16>
          %add3A_1312 = arith.addf %mul3A_1265, %mul3A_1271 : vector<32xbf16>
          %add3A_1313 = arith.addf %mul3A_1277, %mul3A_1283 : vector<32xbf16>
          %add3A_1314 = arith.addf %mul3A_1289, %mul3A_1295 : vector<32xbf16>
          %add3A_1315 = arith.addf %mul3A_1301, %mul3A_1307 : vector<32xbf16>
          %add3A_1316 = arith.addf %add3A_1308, %add3A_1309 : vector<32xbf16>
          %add3A_1317 = arith.addf %add3A_1310, %add3A_1311 : vector<32xbf16>
          %add3A_1318 = arith.addf %add3A_1312, %add3A_1313 : vector<32xbf16>
          %add3A_1319 = arith.addf %add3A_1314, %add3A_1315 : vector<32xbf16>
          %add3A_1320 = arith.addf %add3A_1316, %add3A_1317 : vector<32xbf16>
          %add3A_1321 = arith.addf %add3A_1318, %add3A_1319 : vector<32xbf16>
          %add3A_1322 = arith.addf %add3A_1320, %add3A_1321 : vector<32xbf16>
          %bitcast3A_1323 = vector.bitcast %add3A_1322 : vector<32xbf16> to vector<16xi32>
          %mul3A_1324 = arith.constant 7 : i32
          %mul3A_1325 = arith.muli %scan3A_302, %mul3A_1324 : i32
          %add3A_1326 = arith.addi %mul3A_1325, %scan3A_387 : i32
          %swap3A_1327 = arith.index_cast %add3A_1326 : i32 to index
          %swap3A_1328 = arith.constant 96 : index
          %swap3A_1329 = tpu.vector_load %arg8[%swap3A_1327, %swap3A_1328] {strides = array<i32>} : memref<49x128xi32, #tpu.memory_space<vmem>>, vector<16xi32>,
          tpu.vector_store %arg8[%swap3A_1327, %swap3A_1328], %bitcast3A_1323 {strides = array<i32>} : memref<49x128xi32, #tpu.memory_space<vmem>>, vector<16xi32>,
          %get3A_1330 = arith.index_cast %and3A_304 : i32 to index
          %get3A_1331 = arith.index_cast %add3A_424 : i32 to index
          %get3A_1332 = arith.constant 112 : index
          %get3A_1333 = tpu.vector_load %arg7[%get3A_1330, %get3A_1331, %get3A_1332] {strides = array<i32>} : memref<2x128x128xi32, #tpu.memory_space<vmem>>, vector<16xi32>,
          %bitcast3A_1334 = vector.bitcast %get3A_1333 : vector<16xi32> to vector<32xbf16>
          %mul3A_1335 = arith.mulf %mul3A_422, %bitcast3A_1334 : vector<32xbf16>
          %get3A_1336 = arith.index_cast %and3A_304 : i32 to index
          %get3A_1337 = arith.index_cast %add3A_427 : i32 to index
          %get3A_1338 = arith.constant 112 : index
          %get3A_1339 = tpu.vector_load %arg7[%get3A_1336, %get3A_1337, %get3A_1338] {strides = array<i32>} : memref<2x128x128xi32, #tpu.memory_space<vmem>>, vector<16xi32>,
          %bitcast3A_1340 = vector.bitcast %get3A_1339 : vector<16xi32> to vector<32xbf16>
          %mul3A_1341 = arith.mulf %mul3A_425, %bitcast3A_1340 : vector<32xbf16>
          %get3A_1342 = arith.index_cast %and3A_304 : i32 to index
          %get3A_1343 = arith.index_cast %add3A_430 : i32 to index
          %get3A_1344 = arith.constant 112 : index
          %get3A_1345 = tpu.vector_load %arg7[%get3A_1342, %get3A_1343, %get3A_1344] {strides = array<i32>} : memref<2x128x128xi32, #tpu.memory_space<vmem>>, vector<16xi32>,
          %bitcast3A_1346 = vector.bitcast %get3A_1345 : vector<16xi32> to vector<32xbf16>
          %mul3A_1347 = arith.mulf %mul3A_428, %bitcast3A_1346 : vector<32xbf16>
          %get3A_1348 = arith.index_cast %and3A_304 : i32 to index
          %get3A_1349 = arith.index_cast %add3A_433 : i32 to index
          %get3A_1350 = arith.constant 112 : index
          %get3A_1351 = tpu.vector_load %arg7[%get3A_1348, %get3A_1349, %get3A_1350] {strides = array<i32>} : memref<2x128x128xi32, #tpu.memory_space<vmem>>, vector<16xi32>,
          %bitcast3A_1352 = vector.bitcast %get3A_1351 : vector<16xi32> to vector<32xbf16>
          %mul3A_1353 = arith.mulf %mul3A_431, %bitcast3A_1352 : vector<32xbf16>
          %get3A_1354 = arith.index_cast %and3A_304 : i32 to index
          %get3A_1355 = arith.index_cast %add3A_436 : i32 to index
          %get3A_1356 = arith.constant 112 : index
          %get3A_1357 = tpu.vector_load %arg7[%get3A_1354, %get3A_1355, %get3A_1356] {strides = array<i32>} : memref<2x128x128xi32, #tpu.memory_space<vmem>>, vector<16xi32>,
          %bitcast3A_1358 = vector.bitcast %get3A_1357 : vector<16xi32> to vector<32xbf16>
          %mul3A_1359 = arith.mulf %mul3A_434, %bitcast3A_1358 : vector<32xbf16>
          %get3A_1360 = arith.index_cast %and3A_304 : i32 to index
          %get3A_1361 = arith.index_cast %add3A_439 : i32 to index
          %get3A_1362 = arith.constant 112 : index
          %get3A_1363 = tpu.vector_load %arg7[%get3A_1360, %get3A_1361, %get3A_1362] {strides = array<i32>} : memref<2x128x128xi32, #tpu.memory_space<vmem>>, vector<16xi32>,
          %bitcast3A_1364 = vector.bitcast %get3A_1363 : vector<16xi32> to vector<32xbf16>
          %mul3A_1365 = arith.mulf %mul3A_437, %bitcast3A_1364 : vector<32xbf16>
          %get3A_1366 = arith.index_cast %and3A_304 : i32 to index
          %get3A_1367 = arith.index_cast %add3A_442 : i32 to index
          %get3A_1368 = arith.constant 112 : index
          %get3A_1369 = tpu.vector_load %arg7[%get3A_1366, %get3A_1367, %get3A_1368] {strides = array<i32>} : memref<2x128x128xi32, #tpu.memory_space<vmem>>, vector<16xi32>,
          %bitcast3A_1370 = vector.bitcast %get3A_1369 : vector<16xi32> to vector<32xbf16>
          %mul3A_1371 = arith.mulf %mul3A_440, %bitcast3A_1370 : vector<32xbf16>
          %get3A_1372 = arith.index_cast %and3A_304 : i32 to index
          %get3A_1373 = arith.index_cast %add3A_445 : i32 to index
          %get3A_1374 = arith.constant 112 : index
          %get3A_1375 = tpu.vector_load %arg7[%get3A_1372, %get3A_1373, %get3A_1374] {strides = array<i32>} : memref<2x128x128xi32, #tpu.memory_space<vmem>>, vector<16xi32>,
          %bitcast3A_1376 = vector.bitcast %get3A_1375 : vector<16xi32> to vector<32xbf16>
          %mul3A_1377 = arith.mulf %mul3A_443, %bitcast3A_1376 : vector<32xbf16>
          %get3A_1378 = arith.index_cast %and3A_304 : i32 to index
          %get3A_1379 = arith.index_cast %add3A_482 : i32 to index
          %get3A_1380 = arith.constant 112 : index
          %get3A_1381 = tpu.vector_load %arg7[%get3A_1378, %get3A_1379, %get3A_1380] {strides = array<i32>} : memref<2x128x128xi32, #tpu.memory_space<vmem>>, vector<16xi32>,
          %bitcast3A_1382 = vector.bitcast %get3A_1381 : vector<16xi32> to vector<32xbf16>
          %mul3A_1383 = arith.mulf %mul3A_480, %bitcast3A_1382 : vector<32xbf16>
          %get3A_1384 = arith.index_cast %and3A_304 : i32 to index
          %get3A_1385 = arith.index_cast %add3A_485 : i32 to index
          %get3A_1386 = arith.constant 112 : index
          %get3A_1387 = tpu.vector_load %arg7[%get3A_1384, %get3A_1385, %get3A_1386] {strides = array<i32>} : memref<2x128x128xi32, #tpu.memory_space<vmem>>, vector<16xi32>,
          %bitcast3A_1388 = vector.bitcast %get3A_1387 : vector<16xi32> to vector<32xbf16>
          %mul3A_1389 = arith.mulf %mul3A_483, %bitcast3A_1388 : vector<32xbf16>
          %get3A_1390 = arith.index_cast %and3A_304 : i32 to index
          %get3A_1391 = arith.index_cast %add3A_488 : i32 to index
          %get3A_1392 = arith.constant 112 : index
          %get3A_1393 = tpu.vector_load %arg7[%get3A_1390, %get3A_1391, %get3A_1392] {strides = array<i32>} : memref<2x128x128xi32, #tpu.memory_space<vmem>>, vector<16xi32>,
          %bitcast3A_1394 = vector.bitcast %get3A_1393 : vector<16xi32> to vector<32xbf16>
          %mul3A_1395 = arith.mulf %mul3A_486, %bitcast3A_1394 : vector<32xbf16>
          %get3A_1396 = arith.index_cast %and3A_304 : i32 to index
          %get3A_1397 = arith.index_cast %add3A_491 : i32 to index
          %get3A_1398 = arith.constant 112 : index
          %get3A_1399 = tpu.vector_load %arg7[%get3A_1396, %get3A_1397, %get3A_1398] {strides = array<i32>} : memref<2x128x128xi32, #tpu.memory_space<vmem>>, vector<16xi32>,
          %bitcast3A_1400 = vector.bitcast %get3A_1399 : vector<16xi32> to vector<32xbf16>
          %mul3A_1401 = arith.mulf %mul3A_489, %bitcast3A_1400 : vector<32xbf16>
          %get3A_1402 = arith.index_cast %and3A_304 : i32 to index
          %get3A_1403 = arith.index_cast %add3A_494 : i32 to index
          %get3A_1404 = arith.constant 112 : index
          %get3A_1405 = tpu.vector_load %arg7[%get3A_1402, %get3A_1403, %get3A_1404] {strides = array<i32>} : memref<2x128x128xi32, #tpu.memory_space<vmem>>, vector<16xi32>,
          %bitcast3A_1406 = vector.bitcast %get3A_1405 : vector<16xi32> to vector<32xbf16>
          %mul3A_1407 = arith.mulf %mul3A_492, %bitcast3A_1406 : vector<32xbf16>
          %get3A_1408 = arith.index_cast %and3A_304 : i32 to index
          %get3A_1409 = arith.index_cast %add3A_497 : i32 to index
          %get3A_1410 = arith.constant 112 : index
          %get3A_1411 = tpu.vector_load %arg7[%get3A_1408, %get3A_1409, %get3A_1410] {strides = array<i32>} : memref<2x128x128xi32, #tpu.memory_space<vmem>>, vector<16xi32>,
          %bitcast3A_1412 = vector.bitcast %get3A_1411 : vector<16xi32> to vector<32xbf16>
          %mul3A_1413 = arith.mulf %mul3A_495, %bitcast3A_1412 : vector<32xbf16>
          %get3A_1414 = arith.index_cast %and3A_304 : i32 to index
          %get3A_1415 = arith.index_cast %add3A_500 : i32 to index
          %get3A_1416 = arith.constant 112 : index
          %get3A_1417 = tpu.vector_load %arg7[%get3A_1414, %get3A_1415, %get3A_1416] {strides = array<i32>} : memref<2x128x128xi32, #tpu.memory_space<vmem>>, vector<16xi32>,
          %bitcast3A_1418 = vector.bitcast %get3A_1417 : vector<16xi32> to vector<32xbf16>
          %mul3A_1419 = arith.mulf %mul3A_498, %bitcast3A_1418 : vector<32xbf16>
          %get3A_1420 = arith.index_cast %and3A_304 : i32 to index
          %get3A_1421 = arith.index_cast %add3A_503 : i32 to index
          %get3A_1422 = arith.constant 112 : index
          %get3A_1423 = tpu.vector_load %arg7[%get3A_1420, %get3A_1421, %get3A_1422] {strides = array<i32>} : memref<2x128x128xi32, #tpu.memory_space<vmem>>, vector<16xi32>,
          %bitcast3A_1424 = vector.bitcast %get3A_1423 : vector<16xi32> to vector<32xbf16>
          %mul3A_1425 = arith.mulf %mul3A_501, %bitcast3A_1424 : vector<32xbf16>
          %add3A_1426 = arith.addf %mul3A_1335, %mul3A_1341 : vector<32xbf16>
          %add3A_1427 = arith.addf %mul3A_1347, %mul3A_1353 : vector<32xbf16>
          %add3A_1428 = arith.addf %mul3A_1359, %mul3A_1365 : vector<32xbf16>
          %add3A_1429 = arith.addf %mul3A_1371, %mul3A_1377 : vector<32xbf16>
          %add3A_1430 = arith.addf %mul3A_1383, %mul3A_1389 : vector<32xbf16>
          %add3A_1431 = arith.addf %mul3A_1395, %mul3A_1401 : vector<32xbf16>
          %add3A_1432 = arith.addf %mul3A_1407, %mul3A_1413 : vector<32xbf16>
          %add3A_1433 = arith.addf %mul3A_1419, %mul3A_1425 : vector<32xbf16>
          %add3A_1434 = arith.addf %add3A_1426, %add3A_1427 : vector<32xbf16>
          %add3A_1435 = arith.addf %add3A_1428, %add3A_1429 : vector<32xbf16>
          %add3A_1436 = arith.addf %add3A_1430, %add3A_1431 : vector<32xbf16>
          %add3A_1437 = arith.addf %add3A_1432, %add3A_1433 : vector<32xbf16>
          %add3A_1438 = arith.addf %add3A_1434, %add3A_1435 : vector<32xbf16>
          %add3A_1439 = arith.addf %add3A_1436, %add3A_1437 : vector<32xbf16>
          %add3A_1440 = arith.addf %add3A_1438, %add3A_1439 : vector<32xbf16>
          %bitcast3A_1441 = vector.bitcast %add3A_1440 : vector<32xbf16> to vector<16xi32>
          %mul3A_1442 = arith.constant 7 : i32
          %mul3A_1443 = arith.muli %scan3A_302, %mul3A_1442 : i32
          %add3A_1444 = arith.addi %mul3A_1443, %scan3A_387 : i32
          %swap3A_1445 = arith.index_cast %add3A_1444 : i32 to index
          %swap3A_1446 = arith.constant 112 : index
          %swap3A_1447 = tpu.vector_load %arg8[%swap3A_1445, %swap3A_1446] {strides = array<i32>} : memref<49x128xi32, #tpu.memory_space<vmem>>, vector<16xi32>,
          tpu.vector_store %arg8[%swap3A_1445, %swap3A_1446], %bitcast3A_1441 {strides = array<i32>} : memref<49x128xi32, #tpu.memory_space<vmem>>, vector<16xi32>,
        }
        %scan3A_386 = arith.constant 7 : i32
      }
      %scan3A_298 = arith.constant 7 : i32
      %mul3A_299 = arith.constant 32 : i32
      %mul3A_300 = arith.muli %add3A, %mul3A_299 : i32
      %add3A_301 = arith.addi %mul3A_300, %scan3A_25 : i32
      "tpu.region"() ({
        %run_scoped3A = tpu.sem_alloc : memref<!tpu.dma_semaphore, #tpu.memory_space<semaphore_mem>>
        %dma_start3A_302 = arith.constant 0 : i32
        %dma_start3A_303 = arith.constant 0 : i32
        %dma_start3A_304 = tpu.memref_slice %arg4[%add3A_301, %dma_start3A_302, %dma_start3A_303] : memref<1024x49x128xi32, #tpu.memory_space<hbm>> -> memref<1x49x128xi32, #tpu.memory_space<hbm>>
        %dma_start3A_305 = tpu.memref_squeeze %dma_start3A_304 : memref<1x49x128xi32, #tpu.memory_space<hbm>> -> memref<49x128xi32, #tpu.memory_space<hbm>>
        %dma_start3A_306 = arith.constant 0 : i32
        %dma_start3A_307 = arith.constant 0 : i32
        %dma_start3A_308 = tpu.memref_slice %arg4[%add3A_301, %dma_start3A_306, %dma_start3A_307] : memref<1024x49x128xi32, #tpu.memory_space<hbm>> -> memref<1x49x128xi32, #tpu.memory_space<hbm>>
        %dma_start3A_309 = tpu.memref_squeeze %dma_start3A_308 : memref<1x49x128xi32, #tpu.memory_space<hbm>> -> memref<49x128xi32, #tpu.memory_space<hbm>>
        tpu.enqueue_dma source(%arg8 : memref<49x128xi32, #tpu.memory_space<vmem>>) target(%dma_start3A_309 : memref<49x128xi32, #tpu.memory_space<hbm>>) target_semaphore(%run_scoped3A : memref<!tpu.dma_semaphore, #tpu.memory_space<semaphore_mem>>)
        %dma_wait3A = arith.constant 0 : i32
        %dma_wait3A_310 = arith.constant 0 : i32
        %dma_wait3A_311 = tpu.memref_slice %arg4[%add3A_301, %dma_wait3A, %dma_wait3A_310] : memref<1024x49x128xi32, #tpu.memory_space<hbm>> -> memref<1x49x128xi32, #tpu.memory_space<hbm>>
        %dma_wait3A_312 = tpu.memref_squeeze %dma_wait3A_311 : memref<1x49x128xi32, #tpu.memory_space<hbm>> -> memref<49x128xi32, #tpu.memory_space<hbm>>
        %dma_wait3A_313 = arith.constant 0 : i32
        %dma_wait3A_314 = arith.constant 0 : i32
        %dma_wait3A_315 = tpu.memref_slice %arg4[%add3A_301, %dma_wait3A_313, %dma_wait3A_314] : memref<1024x49x128xi32, #tpu.memory_space<hbm>> -> memref<1x49x128xi32, #tpu.memory_space<hbm>>
        %dma_wait3A_316 = tpu.memref_squeeze %dma_wait3A_315 : memref<1x49x128xi32, #tpu.memory_space<hbm>> -> memref<49x128xi32, #tpu.memory_space<hbm>>
        tpu.wait_dma2 semaphore(%run_scoped3A : memref<!tpu.dma_semaphore, #tpu.memory_space<semaphore_mem>>) src(%arg8 : memref<49x128xi32, #tpu.memory_space<vmem>>) dst(%dma_wait3A_316 : memref<49x128xi32, #tpu.memory_space<hbm>>)
        tpu.yield
      }) : () -> ()
    }
    %scan3A_24 = arith.constant 32 : i32
    return
  }
}

</mosaic_0001>

<sc_bundles>
// kernel: kernel.3.cloned.1.call-start
scs
__scs_entry_jumppad:
0x0: {  	(pc) =	sbr.rel $0x88, $3  }
0x1: {  	(tag) =	ssettag $0x0;
	lr =	simm.s32 $0x1  }
0x2: {  	[smem:$0x3F9F] =	sst lr;
	_ =	strace $0xD0000000  }
0x3: {  	_ = 	snop  }
0x4: {  	_ = 	snop  }
0x5: {  	_ = 	snop  }
0x6: {  	_ = 	snop  }
0x7: {  	_ = 	snop  }
__scs_overlays_trampoline_lowered:
0x8: {  	[smem:$0x3FAE] =	sst s0  }
0x9: {  	[smem:$0x3FAF] =	sst s1  }
0xa: {  	[smem:$0x3FB0] =	sst s2  }
0xb: {  	[smem:$0x3FB1] =	sst s3  }
0xc: {  	[smem:$0x3FB2] =	sst s4  }
0xd: {  	[smem:$0x3FB3] =	sst s5  }
0xe: {  	[smem:$0x3FB4] =	sst s6  }
0xf: {  	[smem:$0x3FB5] =	sst s7  }
0x10: {  	[smem:$0x3FB6] =	sst s8  }
0x11: {  	[smem:$0x3FB7] =	sst s9;
	s0 =	simm.s32 @!p0 $0x0  }
0x12: {  	s1 =	sld [smem:$0x3F9D];
	s0 =	simm.s32 @p0 $0x1  }
0x13: {  	[smem:$0x3FB8] =	sst s0;
	s0 =	simm.s32 @!p1 $0x0  }
0x14: {  	s2 =	sld [smem:$0x3F9C];
	s0 =	simm.s32 @p1 $0x1  }
0x15: {  	[smem:$0x3FB9] =	sst s0;
	s0 =	simm.s32 @!p2 $0x0  }
0x16: {  	s3 =	sld [smem:$0x3FDB];
	s0 =	simm.s32 @p2 $0x1  }
0x17: {  	s4 =	simm.s32 $0x1BF5;
	[smem:$0x3FBB] =	sst s0  }
0x18: {  	s0 =	sld [smem:$0x3F9E];
	_ =	swait.ge [sflag:s4], $0x0  }
0x19: {  	s7 =	sld [smem:$0x3F9F]  }
0x1a: {  	s8 =	sadd.s32 $0xFFFFE003, lr  }
0x1b: {  	s9 =	sadd.s32 $0xFFFFFEF7, lr;
	s5 =	simm.s32 $0xFFFFFFFF;
	p2 =	slt.u32 s8, $0xFFFFF086  }
0x1c: {  	p1 =	slt.u32 s9, $0xF7A;
	s5 =	simm.s32 @!p2 $0x0  }
0x1d: {  	s5 =	simm.s32 @p1 $0x1;
	p0 =	seq.s32 s7, s2  }
0x1e: {  	s7 =	smul.u32 @!p0 $0xF7A, s2;
	p2 =	seq.s32 @!p0 s5, $0x0  }
0x1f: {  	s9 =	smul.u32 $0xF7A, s1;
	s8 =	simm.s32 @!p0 $0x1BF5;
	p2 =	por !p2, p0  }
0x20: {  	[sflag:s8] =	ssyncset.s32 @!p0 $0xFFFFF086;
	s6 =	sadd.s32 @!p0 s3, s7;
	s7 =	simm.s32 @!p0 $0x108  }
0x21: {  	s3 =	sadd.s32 s3, s9;
	s6 =	sadd.s32 @!p0 $0x88, s6;
	s7 =	simm.s32 @p2 $0x1082  }
0x22: {  	[simem:s7], [sflag:s8] =	dma.local @!p0 [hbm:s6], $0xF7A  }
0x23: {  	s9 =	sor.u32 $0xD0000000, s2;
	s6 =	simm.s32 $0x108;
	_ =	swait.ge @!p0 [sflag:s8], $0x0  }
0x24: {  	s3 =	sadd.s32 $0x88, s3;
	s6 =	simm.s32 @!p1 $0x1082;
	[sflag:s4] =	ssyncset.s32 $0xFFFFF086  }
0x25: {  	[simem:s6], [sflag:s4] =	dma.local [hbm:s3], $0xF7A  }
0x26: {  	[smem:$0x3F9F] =	sst s1;
	(tag) =	ssettag s2;
	_ =	strace s9  }
0x27: {  	s1 =	sld [smem:$0x3FAF]  }
0x28: {  	s2 =	sld [smem:$0x3FB0]  }
0x29: {  	s4 =	sld [smem:$0x3FB2]  }
0x2a: {  	p0 =	seq.s32 s5, $0x0;
	s5 =	sld [smem:$0x3FB3]  }
0x2b: {  	s6 =	sld [smem:$0x3FB4]  }
0x2c: {  	s7 =	sld [smem:$0x3FB5]  }
0x2d: {  	s3 =	simm.s32 $0x108;
	s8 =	sld [smem:$0x3FB6]  }
0x2e: {  	s3 =	simm.s32 @!p0 $0x1082;
	s9 =	sld [smem:$0x3FB7]  }
0x2f: {  	lr =	sadd.s32 s0, s3;
	s0 =	sld [smem:$0x3FAE]  }
0x30: {  	s3 =	sld [smem:$0x3FB1]  }
0x31: {  	[smem:$0x3FBA] =	sst s10  }
0x32: {  	s10 =	sld [smem:$0x3FB8];
	_ =	sdelay $0x3  }
0x33: {  	p0 =	seq.s32 s10, $0x1;
	s10 =	sld [smem:$0x3FBA];
	_ =	sdelay $0x3  }
0x34: {  	[smem:$0x3FBA] =	sst s10  }
0x35: {  	s10 =	sld [smem:$0x3FB9];
	_ =	sdelay $0x3  }
0x36: {  	p1 =	seq.s32 s10, $0x1;
	s10 =	sld [smem:$0x3FBA];
	_ =	sdelay $0x3  }
0x37: {  	[smem:$0x3FBA] =	sst s10  }
0x38: {  	s10 =	sld [smem:$0x3FBB]  }
0x39: {  	_ = 	snop;
	(pc) =	sbr.ind lr, $3  }
0x3a: {  	_ = 	snop  }
0x3b: {  	_ = 	snop  }
0x3c: {  	p2 =	seq.s32 s10, $0x1;
	s10 =	sld [smem:$0x3FBA]  }
0x3d: {  	_ =	shalt  }
0x3e: {  	_ =	shalt  }
0x3f: {  	_ =	shalt  }
0x40: {  	_ =	shalt  }
0x41: {  	_ =	shalt  }
0x42: {  	_ =	shalt  }
0x43: {  	_ =	shalt  }
0x44: {  	_ =	shalt  }
0x45: {  	_ =	shalt  }
0x46: {  	_ =	shalt  }
0x47: {  	_ =	shalt  }
0x48: {  	_ =	shalt  }
0x49: {  	_ =	shalt  }
0x4a: {  	_ =	shalt  }
0x4b: {  	_ =	shalt  }
0x4c: {  	_ =	shalt  }
0x4d: {  	_ =	shalt  }
0x4e: {  	_ =	shalt  }
0x4f: {  	_ =	shalt  }
0x50: {  	_ =	shalt  }
0x51: {  	_ =	shalt  }
0x52: {  	_ =	shalt  }
0x53: {  	_ =	shalt  }
0x54: {  	_ =	shalt  }
0x55: {  	_ =	shalt  }
0x56: {  	_ =	shalt  }
0x57: {  	_ =	shalt  }
0x58: {  	_ =	shalt  }
0x59: {  	_ =	shalt  }
0x5a: {  	_ =	shalt  }
0x5b: {  	_ =	shalt  }
0x5c: {  	_ =	shalt  }
0x5d: {  	_ =	shalt  }
0x5e: {  	_ =	shalt  }
0x5f: {  	_ =	shalt  }
0x60: {  	_ =	shalt  }
0x61: {  	_ =	shalt  }
0x62: {  	_ =	shalt  }
0x63: {  	_ =	shalt  }
0x64: {  	_ =	shalt  }
0x65: {  	_ =	shalt  }
0x66: {  	_ =	shalt  }
0x67: {  	_ =	shalt  }
0x68: {  	_ =	shalt  }
0x69: {  	_ =	shalt  }
0x6a: {  	_ =	shalt  }
0x6b: {  	_ =	shalt  }
0x6c: {  	_ =	shalt  }
0x6d: {  	_ =	shalt  }
0x6e: {  	_ =	shalt  }
0x6f: {  	_ =	shalt  }
0x70: {  	_ =	shalt  }
0x71: {  	_ =	shalt  }
0x72: {  	_ =	shalt  }
0x73: {  	_ =	shalt  }
0x74: {  	_ =	shalt  }
0x75: {  	_ =	shalt  }
0x76: {  	_ =	shalt  }
0x77: {  	_ =	shalt  }
0x78: {  	_ =	shalt  }
0x79: {  	_ =	shalt  }
0x7a: {  	_ =	shalt  }
0x7b: {  	_ =	shalt  }
0x7c: {  	_ =	shalt  }
0x7d: {  	_ =	shalt  }
0x7e: {  	_ =	shalt  }
0x7f: {  	_ =	shalt  }
0x80: {  	_ =	shalt  }
0x81: {  	_ =	shalt  }
0x82: {  	_ =	shalt  }
0x83: {  	_ =	shalt  }
0x84: {  	_ =	shalt  }
0x85: {  	_ =	shalt  }
0x86: {  	_ =	shalt  }
0x87: {  	_ =	shalt  }
.Lfunc_end0:
.L_simem_size_0:
called_computation.1_lowered:
.L_overlay_start_0:
0x88: {  	s2 =	sld [smem:$0x3FD9]  }
0x89: {  	s3 =	sld [smem:$0x3FFE];
	_ =	sdelay $0x1  }
0x8a: {  	s1 =	srdreg.scid  }
0x8b: {  	s0 =	sand.u32 $0x1, s1  }
0x8c: {  	s17 =	sshll.u32 s0, $0xA;
	s2 =	sadd.s32 s3, s2  }
0x8d: {  	s2 =	sadd.s32 s2, s17  }
0x8e: {  	[smem:$0x3FC6] =	sst s2  }
0x8f: {  	_ = 	snop  }
0x90: {  	s2 =	sld [smem:$0x3FD0];
	(tm) =	ssettm $0x1  }
0x91: {  	s18 =	sld [smem:$0x3FFB];
	_ =	sdelay $0x3  }
0x92: {  	_ =	strace s18  }
0x93: {  	s3 =	sld [smem:$0x3FFC];
	_ =	sdelay $0x3  }
0x94: {  	_ =	strace s3  }
0x95: {  	s3 =	sld [smem:$0x3FFD];
	_ =	sdelay $0x3  }
0x96: {  	_ =	strace s3  }
0x97: {  	_ =	strace $0x8FFFFFFF  }
0x98: {  	s19 =	sld [smem:$0x3FDB];
	_ =	sdelay $0x1  }
0x99: {  	s4 =	simm.s32 $_scs_section_size  }
0x9a: {  	s5 =	simm.s32 $_size__tile_overlayer_lowered;
	s6 =	simm.s32 $_tile_overlayer_lowered  }
0x9b: {  	s22 =	simm.s32 $0x1BFF;
	s21 =	sshll.u32 s6, $0x1;
	s3 =	sadd.s32 s4, s19  }
0x9c: {  	s7 =	simm.s32 $0x0;
	s20 =	sshll.u32 s5, $0x1;
	s5 =	sadd.s32 s21, s3  }
0x9d: {  	[timem:s7], [sflag:s22] =	dma.local [hbm:s5], s20  }
0x9e: {  	_ =	swait.ge [sflag:s22], s20  }
0x9f: {  	s4 =	ssub.s32 $0x0, s20;
	[sflag:s22] =	ssyncset.done $0x0  }
0xa0: {  	[sflag:s22] =	ssyncadd.s32 s4;
	_ =	sdelay $0x1  }
0xa1: {  	s23 =	simm.s32 $0x1B8B  }
0xa2: {  	_ =	swait.ge [sflag:s23], $0x1  }
0xa3: {  	[sflag:s23] =	ssyncset.done $0x0  }
0xa4: {  	s25 =	simm.s32 $0x1B8E;
	s24 =	sld [smem:$0x3FFE];
	[sflag:s23] =	ssyncadd.s32 $0xFFFFFFFF  }
0xa5: {  	s26 =	simm.s32 $execute0_lowered;
	[smem:$0x3FD2] =	sst s25  }
0xa6: {  	s5 =	sshll.u32 s26, $0x1;
	_ =	strace $0x80000046;
	[dreg:$0x1] =	wrdreg $0xFFFFFFFF  }
0xa7: {  	s28 =	simm.s32 $_size_execute0_lowered;
	s3 =	sadd.s32 s3, s5;
	[dreg:$0x0] =	wrdreg $0x0  }
0xa8: {  	s5 =	sshll.u32 s28, $0x1;
	[dreg:$0x2] =	wrdreg s3  }
0xa9: {  	[dreg:$0x3] =	wrdreg s5  }
0xaa: {  	[dreg:$0x4] =	wrdreg $0xC0  }
0xab: {  	_ =	task [dreg:s7], $0x5FFFF  }
0xac: {  	[dreg:$0x1] =	wrdreg $0xFFFFFFFF  }
0xad: {  	[dreg:$0x0] =	wrdreg $0x60  }
0xae: {  	[dreg:$0x2] =	wrdreg s24  }
0xaf: {  	[dreg:$0x3] =	wrdreg s2  }
0xb0: {  	[dreg:$0x4] =	wrdreg $0x9  }
0xb1: {  	_ =	task.clear_ibuf [dreg:s7], $0x5FFFF;
	_ =	strace $0x90000046  }
0xb2: {  	s29 =	simm.s32 $0x9;
	_ =	strace $0x80000048  }
0xb3: {  	_ =	swait.ge [sflag:s29], $0x1  }
0xb4: {  	[sflag:s29] =	ssyncadd.s32 $0xFFFFFFFF  }
0xb5: {  	_ =	strace $0x90000048  }
0xb6: {  	_ =	sfence  }
0xb7: {  	s30 =	sld [smem:$0x0];
	_ =	sdelay $0x2  }
0xb8: {  	s31 =	sshll.u32 s1, $0xD;
	s1 =	sshrl.u32 s1, $0x2  }
0xb9: {  	s3 =	sand.u32 $0x4000, s31;
	s1 =	sadd.s32 s1, s30  }
0xba: {  	s0 =	sor.u32 s3, s0;
	s1 =	sshll.u32 s1, $0x11  }
0xbb: {  	s0 =	sor.u32 s1, s0  }
0xbc: {  	s0 =	sadd.s32 $0x8F2B, s0  }
0xbd: {  	[sflag:s0] =	ssyncadd.remote.s32 $0x1  }
0xbe: {  	_ =	sfence.sel $0xFFFF  }
0xbf: {  	[dreg:$0x0] =	wrdreg $0xFFFFFFFF;
	(pc) =	sbr.abs _section_cstart, $3  }
0xc0: {  	[dreg:$0x1] =	wrdreg $0xFFFFFFFF  }
0xc1: {  	_ =	task.clear_ibuf [dreg:s7], $0x2FFFF;
	_ =	strace $0x9FFFFFFF  }
0xc2: {  	(tm) =	ssettm $0x7FFFFFFF  }
0xc3: {  	_ =	shalt  }
tec
execute0_lowered:
.L_overlay_start_1:
0x0: {  	(tag) =	ssettag $0x1  }
0x1: {  	v0 =	vimm.f32 $7.750000000e+00;
	vm0 =	vcmask $0x300  }
0x2: {  	vm14 =	vcmask $0x704;
	v0 =	vsel vm0, $0x3E800000, v0  }
0x3: {  	vm15 =	vcmask $0xB08;
	v0 =	vsel vm14, $0x3F400000, v0  }
0x4: {  	vm4 =	vcmask $0xF0C;
	v0 =	vsel vm15, $0x3FA00000, v0  }
0x5: {  	s1 =	srdreg.scid;
	vm5 =	vcmask $0x1310;
	s5 =	rddreg [dreg:$0x0];
	v0 =	vsel vm4, $0x3FE00000, v0  }
0x6: {  	s0 =	stileid.u32;
	vm6 =	vcmask $0x1714;
	s2 =	rddreg [dreg:$0x1];
	v0 =	vsel vm5, $0x40100000, v0  }
0x7: {  	vm7 =	vcmask $0x1B18;
	s3 =	simm.s32 $0x0;
	s12 =	simm.s32 $0x2;
	s13 =	simm.s32 $0x20;
	v0 =	vsel vm6, $0x40300000, v0  }
0x8: {  	vm8 =	vcmask $0x1F1C;
	s14 =	simm.s32 $0x40;
	s15 =	simm.s32 $0x60;
	s16 =	simm.s32 $0x80;
	v0 =	vsel vm7, $0x40500000, v0  }
0x9: {  	vm9 =	vcmask $0x2320;
	s17 =	simm.s32 $0x100;
	s18 =	simm.s32 $0x200;
	s19 =	simm.s32 $0x1;
	v0 =	vsel vm8, $0x40700000, v0  }
0xa: {  	vm10 =	vcmask $0x2724;
	s20 =	simm.s32 $0x8200;
	s21 =	simm.s32 $0x0;
	s6 =	sand.u32 $0x1, s1;
	v0 =	vsel vm9, $0x40880000, v0  }
0xb: {  	vm11 =	vcmask $0x2B28;
	s4 =	sshll.u32 s0, $0x6;
	s1 =	rddreg [dreg:$0x2];
	s7 =	sshll.u32 s6, $0x5;
	v0 =	vsel vm10, $0x40980000, v0  }
0xc: {  	vm12 =	vcmask $0x2F2C;
	[smem:$0x7FF] =	sst s3;
	s6 =	ssub.s32 $0x2, s6;
	s4 =	sor.u32 s7, s4;
	v0 =	vsel vm11, $0x40A80000, v0  }
0xd: {  	vm13 =	vcmask $0x3330;
	_ =	strace $0x80000047;
	s31 =	sshrl.u32 s6, $0x1;
	s7 =	sshrl.u32 s4, $0x3;
	v0 =	vsel vm12, $0x40B80000, v0  }
0xe: {  	vm14 =	vcmask $0x3734;
	s11 =	ssub.s32 s6, s31;
	s10 =	sadd.s32 s7, s5;
	s5 =	sadd.s32 $0xE00, s5;
	v0 =	vsel vm13, $0x40C80000, v0  }
0xf: {  	vm15 =	vcmask $0x3B38;
	s11 =	smax.u32 s11, $0x1;
	s6 =	sadd.s32 $0xA00, s10;
	s7 =	sadd.s32 $0xA80, s10;
	v0 =	vsel vm14, $0x40D80000, v0  }
0x10: {  	v1 =	vimm.s32 $0x1;
	v2 =	vimm.s32 $0x0;
	s8 =	sadd.s32 $0xB00, s10;
	s9 =	sadd.s32 $0xB80, s10;
	s10 =	sadd.s32 $0xC00, s10;
	v0 =	vsel vm15, $0x40E80000, v0  }
.LBB2_1:
0x11: {  	[tilespmem:s3], [sflag:$0x2] =	stream.linear.gather [hbm4b:s6+s3], $0x20, $0x38;
	[tilespmem:$0x9E00] =	vst v63  }
0x12: {  	_ =	swait.ge [sflag:s12], $0x20  }
0x13: {  	[sflag:s12] =	ssyncset.done $0x0  }
0x14: {  	[sflag:s12] =	ssyncadd.s32 $0xFFFFFFE0  }
0x15: {  	[tilespmem:s13], [sflag:$0x2] =	stream.linear.gather [hbm4b:s7+s3], $0x20, $0x38;
	[tilespmem:$0x9E00] =	vst v63  }
0x16: {  	_ =	swait.ge [sflag:s12], $0x20  }
0x17: {  	[sflag:s12] =	ssyncset.done $0x0  }
0x18: {  	[sflag:s12] =	ssyncadd.s32 $0xFFFFFFE0  }
0x19: {  	[tilespmem:s14], [sflag:$0x2] =	stream.linear.gather [hbm4b:s8+s3], $0x20, $0x38;
	[tilespmem:$0x9E00] =	vst v63  }
0x1a: {  	_ =	swait.ge [sflag:s12], $0x20  }
0x1b: {  	[sflag:s12] =	ssyncset.done $0x0  }
0x1c: {  	[sflag:s12] =	ssyncadd.s32 $0xFFFFFFE0  }
0x1d: {  	[tilespmem:s15], [sflag:$0x2] =	stream.linear.gather [hbm4b:s9+s3], $0x20, $0x38;
	[tilespmem:$0x9E00] =	vst v63  }
0x1e: {  	_ =	swait.ge [sflag:s12], $0x20  }
0x1f: {  	[sflag:s12] =	ssyncset.done $0x0  }
0x20: {  	[sflag:s12] =	ssyncadd.s32 $0xFFFFFFE0  }
0x21: {  	[tilespmem:s16], [sflag:$0x2] =	stream.linear.gather [hbm4b:s10+s3], $0x20, $0x38;
	[tilespmem:$0x9E00] =	vst v63  }
0x22: {  	_ =	swait.ge [sflag:s12], $0x20  }
0x23: {  	[sflag:s12] =	ssyncset.done $0x0  }
0x24: {  	s22 =	simm.s32 $0x0;
	[sflag:s12] =	ssyncadd.s32 $0xFFFFFFE0  }
.LBB2_2:
0x25: {  	s23 =	sand.u32 $0x10, s22  }
0x26: {  	v3 =	vld [tilespmem:s23+$0x40]  }
0x27: {  	v4 =	vld [tilespmem:s23+$0x80];
	_ =	sdelay $0x1  }
0x28: {  	v5 =	vld [tilespmem:s23+$0x20]  }
0x29: {  	s24 =	sand.u32 $0xF, s22;
	v6 =	vld [tilespmem:s23+$0x60]  }
0x2a: {  	v7 =	vmov s24  }
0x2b: {  	v3 =	vperm.xlane v3, v7;
	v4 =	vperm.xlane v4, v7;
	_ =	sdelay $0x1  }
0x2c: {  	v3 =	vmul.f32 $2.500000000e-01, v3;
	v4 =	vmul.f32 $2.500000000e-01, v4  }
0x2d: {  	v5 =	vperm.xlane v5, v7;
	v6 =	vperm.xlane v6, v7  }
0x2e: {  	v3 =	vadd.f32 $-5.000000000e-01, v3;
	v4 =	vadd.f32 $-5.000000000e-01, v4  }
0x2f: {  	v5 =	vmul.f32 $2.500000000e-01, v5;
	v6 =	vmul.f32 $2.500000000e-01, v6  }
0x30: {  	v4 =	vsub.f32 v4, v3  }
0x31: {  	v5 =	vadd.f32 $-5.000000000e-01, v5;
	v6 =	vadd.f32 $-5.000000000e-01, v6  }
0x32: {  	v4 =	vmul.f32 $1.428571490e-01, v4  }
0x33: {  	v6 =	vsub.f32 v6, v5  }
0x34: {  	v4 =	vmul.f32 v0, v4  }
0x35: {  	v6 =	vmul.f32 $1.428571490e-01, v6  }
0x36: {  	v8 =	vadd.f32 v4, v3  }
0x37: {  	v3 =	vld [tilespmem:s23+$0x0];
	v4 =	vmul.f32 v0, v6  }
0x38: {  	v6 =	vmax.f32 v8, $0.0e+00  }
0x39: {  	v5 =	vadd.f32 v4, v5;
	v4 =	vtrunc.f32 v6  }
0x3a: {  	vm12 =	vge.f32 v8, $-1.000000000e+00;
	v4 =	vcvt.f32.s32 v4  }
0x3b: {  	vm13 =	vle.f32 v8, $2.000000000e+02;
	v9 =	vmax.f32 v5, $0.0e+00;
	vm14 =	vge.f32 v5, $-1.000000000e+00  }
0x3c: {  	v7 =	vperm.xlane v3, v7;
	v3 =	vtrunc.f32 v9;
	vm1 =	vgt.s32 v4, $0xC6  }
0x3d: {  	vm0 =	vlt.s32 v4, $0xC7;
	v11 =	vcvt.f32.s32 v3;
	v10 =	vsel vm1, $0xC6, v4  }
0x3e: {  	v3 =	vnsel vm0, $0xC7, v4;
	v7 =	vtrunc.f32 v7;
	v4 =	vadd.s32 $0x1, v10  }
0x3f: {  	vm11 =	vgt.s32 v11, $0xC6;
	v7 =	vcvt.f32.s32 v7;
	v10 =	vperm.xlane v3, v2  }
0x40: {  	v12 =	vcvt.s32.f32 v3;
	vm2 =	vlt.s32 v11, $0xC7;
	v60 =	vperm.xlane v3, v1  }
0x41: {  	v14 =	vmul.u32 $0x9C40, v7;
	v7 =	vmul.u32 $0xC8, v10;
	v10 =	vperm.xlane v4, v2  }
0x42: {  	v13 =	vsel vm11, $0xC6, v11;
	v11 =	vnsel vm2, $0xC7, v11;
	v61 =	vperm.xlane v4, v1  }
0x43: {  	v6 =	vsub.f32 v6, v12;
	v59 =	vadd.s32 $0x1, v13;
	v10 =	vmul.u32 $0xC8, v10  }
0x44: {  	v15 =	vcvt.s32.f32 v11;
	v13 =	vmul.u32 $0xC8, v60;
	v7 =	vadd.s32 v14, v7  }
0x45: {  	v16 =	vadd.s32 v7, v11;
	v7 =	vadd.s32 v7, v59;
	v10 =	vadd.s32 v14, v10  }
0x46: {  	v62 =	vmul.u32 $0xC8, v61;
	v9 =	vsub.f32 v9, v15;
	[tilespmem:$0x110] =	vst v7;
	v7 =	vadd.s32 v10, v11  }
0x47: {  	v6 =	vsel vm1, $0x0, v6;
	[tilespmem:$0x120] =	vst v7;
	v7 =	vadd.s32 v10, v59;
	v10 =	vadd.s32 v14, v13  }
0x48: {  	vm3 =	vle.f32 v5, $2.000000000e+02;
	v63 =	vsub.f32 $1.000000000e+00, v6;
	[tilespmem:$0x130] =	vst v7;
	v7 =	vadd.s32 v11, v10  }
0x49: {  	[tilespmem:$0x140] =	vst v7;
	v7 =	vsel vm11, $0x0, v9;
	v9 =	vadd.s32 v59, v10;
	v10 =	vadd.s32 v14, v62  }
0x4a: {  	vm15 =	vmand vm14, vm3;
	v8 =	vsub.f32 $1.000000000e+00, v7;
	[tilespmem:$0x150] =	vst v9;
	v9 =	vadd.s32 v11, v10  }
0x4b: {  	v6 =	vmul.f32 $5.000000000e-01, v6;
	v10 =	vadd.s32 v59, v10;
	[tilespmem:$0x160] =	vst v9;
	v9 =	vmul.f32 $5.000000000e-01, v63  }
0x4c: {  	vm0 =	vmand vm12, vm13;
	[tilespmem:$0x170] =	vst v10;
	v10 =	vmul.f32 $5.000000000e-01, v7;
	v8 =	vmul.f32 $5.000000000e-01, v8  }
0x4d: {  	p0 =	por $0x0, $0x0;
	s24 =	simm.s32 $0x8240;
	s23 =	simm.s32 $0x0;
	[tilespmem:$0x100] =	vst v16;
	v6 =	vnsel vm0, $0x0, v6;
	v5 =	vnsel vm0, $0x0, v9;
	v9 =	vadd.s32 v11, v14  }
0x4e: {  	[tilespmem:s18], [sflag:$0x1] =	stream.indirect.gather [hbm4b:s5+s16], $0x80, s17, s16, $0xb8;
	v7 =	vnsel vm15, $0x0, v8;
	v8 =	vnsel vm15, $0x0, v10;
	v10 =	vadd.s32 v59, v14;
	[tilespmem:$0x9E00] =	vst v63  }
.LBB2_3:
0x4f: {  	p1 =	seq.s32 s23, $0x6  }
0x50: {  	s25 =	sadd.s32 @!p1 $0x1, s23  }
0x51: {  	s26 =	sshll.u32 @!p1 s25, $0x1  }
0x52: {  	v11 =	vmov @!p1 s26  }
0x53: {  	v12 =	vperm.xlane @!p1 v3, v11;
	_ =	sdelay $0x1  }
0x54: {  	s26 =	sshllo.u32 @!p1 s25, $0x1;
	v11 =	vperm.xlane @!p1 v4, v11;
	v12 =	vmul.u32 @!p1 $0xC8, v12  }
0x55: {  	s25 =	sand.u32 @!p1 $0x1, s25;
	v13 =	vmov @!p1 s26  }
0x56: {  	s26 =	sshll.u32 @!p1 s25, $0x7;
	v15 =	vperm.xlane @!p1 v3, v13;
	v11 =	vmul.u32 @!p1 $0xC8, v11;
	v14 =	vadd.s32 @!p1 v9, v12  }
0x57: {  	v13 =	vperm.xlane @!p1 v4, v13;
	v12 =	vadd.s32 @!p1 v10, v12;
	[tilespmem:s26+$0x100] =	vst @!p1 v14  }
0x58: {  	s28 =	sshll.u32 s23, $0x1;
	[tilespmem:s26+$0x110] =	vst @!p1 v12;
	v12 =	vadd.s32 @!p1 v9, v11;
	v14 =	vmul.u32 @!p1 $0xC8, v15  }
0x59: {  	v11 =	vadd.s32 @!p1 v10, v11;
	[tilespmem:s26+$0x120] =	vst @!p1 v12;
	v12 =	vmul.u32 @!p1 $0xC8, v13;
	v13 =	vmov s28  }
0x5a: {  	[tilespmem:s26+$0x130] =	vst @!p1 v11;
	v11 =	vadd.s32 @!p1 v9, v14;
	v15 =	vperm.xlane v5, v13  }
0x5b: {  	s28 =	sshllo.u32 s23, $0x1;
	v13 =	vperm.xlane v6, v13;
	[tilespmem:s26+$0x140] =	vst @!p1 v11;
	v11 =	vadd.s32 @!p1 v10, v14;
	v14 =	vadd.s32 @!p1 v9, v12  }
0x5c: {  	v12 =	vadd.s32 @!p1 v10, v12;
	[tilespmem:s26+$0x150] =	vst @!p1 v11;
	v11 =	vadd.s32 $0x8000, v15;
	v15 =	vmov s28  }
0x5d: {  	s25 =	sshll.u32 @!p1 s25, $0xE;
	s29 =	sor.u32 @!p1 $0x100, s26;
	[tilespmem:s26+$0x170] =	vst @!p1 v12;
	v12 =	vadd.s32 $0x8000, v13;
	v16 =	vperm.xlane v5, v15  }
0x5e: {  	s25 =	sor.u32 @!p1 $0x200, s25;
	s28 =	simm.s32 $0x1;
	[tilespmem:s26+$0x160] =	vst @!p1 v14;
	s26 =	simm.s32 @!p1 $0x80;
	v14 =	vand.u32 $0xFFFF0000, v11;
	v11 =	vshrl.u32 v11, $0x10;
	v13 =	vperm.xlane v6, v15  }
0x5f: {  	[tilespmem:s25], [sflag:$0x1] =	stream.indirect.gather @!p1 [hbm4b:s5+s26], $0x80, s29, s26, $0xb8;
	v11 =	vor.u32 v11, v14;
	v14 =	vand.u32 $0xFFFF0000, v12;
	v15 =	vadd.s32 $0x8000, v16;
	[tilespmem:$0x9E00] =	vst v63  }
0x60: {  	s28 =	simm.s32 @!p0 $0x0;
	_ =	swait.ge [sflag:s19], $0x4000;
	v12 =	vshrl.u32 v12, $0x10;
	v13 =	vadd.s32 $0x8000, v13;
	v16 =	vand.u32 $0xFFFF0000, v15  }
0x61: {  	s26 =	smov.u32 s24;
	s31 =	sshll.u32 s28, $0xE;
	[sflag:s19] =	ssyncset.done $0x0;
	v15 =	vshrl.u32 v15, $0x10;
	v17 =	vand.u32 $0xFFFF0000, v13;
	v18 =	vshrl.u32 v13, $0x10  }
0x62: {  	s28 =	simm.s32 $0x0;
	v12 =	vor.u32 v12, v14;
	s25 =	sor.u32 $0x2200, s31;
	[sflag:s19] =	ssyncadd.s32 $0xFFFFC000;
	v13 =	vor.u32 v15, v16;
	v14 =	vor.u32 v18, v17  }
.LBB2_4:
0x63: {  	v15 =	vmov s28  }
0x64: {  	s29 =	sadd.s32 $0x1, s28;
	v16 =	vperm.xlane v7, v15  }
0x65: {  	v15 =	vperm.xlane v8, v15;
	v19 =	vmov s29  }
0x66: {  	v23 =	vperm.xlane v7, v19;
	v16 =	vadd.s32 $0x8000, v16  }
0x67: {  	v31 =	vld [tilespmem:s25+$0xFFFFE000];
	v24 =	vperm.xlane v8, v19;
	v15 =	vadd.s32 $0x8000, v15;
	v17 =	vand.u32 $0xFFFF0000, v16  }
0x68: {  	v32 =	vld [tilespmem:s25+$0xFFFFE800];
	v16 =	vshrl.u32 v16, $0x10;
	v18 =	vand.u32 $0xFFFF0000, v15;
	v15 =	vshrl.u32 v15, $0x10  }
0x69: {  	v33 =	vld [tilespmem:s25+$0xFFFFF000];
	v23 =	vadd.s32 $0x8000, v23;
	v24 =	vadd.s32 $0x8000, v24;
	v21 =	vor.u32 v16, v17  }
0x6a: {  	v34 =	vld [tilespmem:s25+$0xFFFFF800];
	v22 =	vor.u32 v15, v18;
	v25 =	vand.u32 $0xFFFF0000, v23;
	v15 =	vmul.bf16 v21, v11  }
0x6b: {  	v35 =	vld [tilespmem:s25+$0x0];
	v23 =	vshrl.u32 v23, $0x10;
	v16 =	vmul.bf16 v22, v11;
	v17 =	vmul.bf16 v21, v12  }
0x6c: {  	v36 =	vld [tilespmem:s25+$0x800];
	v26 =	vand.u32 $0xFFFF0000, v24;
	v18 =	vmul.bf16 v22, v12;
	v19 =	vmul.bf16 v21, v13  }
0x6d: {  	v37 =	vld [tilespmem:s25+$0x1000];
	v24 =	vshrl.u32 v24, $0x10;
	v20 =	vmul.bf16 v22, v13;
	v21 =	vmul.bf16 v21, v14  }
0x6e: {  	v39 =	vld [tilespmem:s25+$0x1800];
	v22 =	vmul.bf16 v22, v14;
	v27 =	vor.u32 v23, v25;
	v38 =	vor.u32 v24, v26  }
0x6f: {  	v40 =	vld [tilespmem:s25+$0xFFFFE080];
	v23 =	vmul.bf16 v27, v11;
	v24 =	vmul.bf16 v38, v11  }
0x70: {  	v41 =	vld [tilespmem:s25+$0xFFFFE880];
	v25 =	vmul.bf16 v27, v12;
	v26 =	vmul.bf16 v38, v12  }
0x71: {  	v42 =	vld [tilespmem:s25+$0xFFFFF080];
	v28 =	vmul.bf16 v27, v13;
	v29 =	vmul.bf16 v38, v13  }
0x72: {  	v49 =	vld [tilespmem:s25+$0xFFFFF880];
	v30 =	vmul.bf16 v27, v14;
	v27 =	vmul.bf16 v38, v14  }
0x73: {  	v43 =	vld [tilespmem:s25+$0x80];
	v31 =	vmul.bf16 v15, v31;
	v32 =	vmul.bf16 v16, v32  }
0x74: {  	v44 =	vld [tilespmem:s25+$0x880];
	v33 =	vmul.bf16 v33, v17;
	v34 =	vmul.bf16 v34, v18  }
0x75: {  	v45 =	vld [tilespmem:s25+$0x1080];
	v35 =	vmul.bf16 v35, v19;
	v36 =	vmul.bf16 v36, v20  }
0x76: {  	v46 =	vld [tilespmem:s25+$0x1880];
	v37 =	vmul.bf16 v37, v21;
	v39 =	vmul.bf16 v39, v22  }
0x77: {  	v40 =	vmul.bf16 v40, v23;
	v41 =	vmul.bf16 v41, v24  }
0x78: {  	v42 =	vmul.bf16 v42, v25;
	v38 =	vmul.bf16 v49, v26  }
0x79: {  	v43 =	vmul.bf16 v43, v28;
	v44 =	vmul.bf16 v44, v29  }
0x7a: {  	v45 =	vmul.bf16 v45, v30;
	v31 =	vadd.bf16 v32, v31;
	v50 =	vadd.bf16 v34, v33  }
0x7b: {  	v51 =	vmul.bf16 v46, v27;
	v52 =	vadd.bf16 v36, v35;
	v53 =	vadd.bf16 v39, v37  }
0x7c: {  	v54 =	vadd.bf16 v41, v40;
	v55 =	vadd.bf16 v38, v42  }
0x7d: {  	v56 =	vadd.bf16 v44, v43;
	v33 =	vadd.bf16 v51, v45  }
0x7e: {  	v31 =	vadd.bf16 v50, v31;
	v57 =	vadd.bf16 v53, v52  }
0x7f: {  	v58 =	vadd.bf16 v55, v54;
	v33 =	vadd.bf16 v33, v56;
	_ =	sdelay $0x1  }
0x80: {  	v31 =	vadd.bf16 v57, v31;
	v59 =	vadd.bf16 v33, v58;
	_ =	sdelay $0x1  }
0x81: {  	v31 =	vadd.bf16 v59, v31;
	_ =	sdelay $0x1  }
0x82: {  	[tilespmem:s26+$0xFFFFFFC0] =	vst v31  }
0x83: {  	v31 =	vld [tilespmem:s25+$0xFFFFE010]  }
0x84: {  	v60 =	vld [tilespmem:s25+$0xFFFFE810]  }
0x85: {  	v61 =	vld [tilespmem:s25+$0xFFFFF010]  }
0x86: {  	v62 =	vld [tilespmem:s25+$0xFFFFF810]  }
0x87: {  	v63 =	vld [tilespmem:s25+$0x10]  }
0x88: {  	v48 =	vld [tilespmem:s25+$0x810]  }
0x89: {  	v49 =	vld [tilespmem:s25+$0x1010]  }
0x8a: {  	v50 =	vld [tilespmem:s25+$0x1810]  }
0x8b: {  	v51 =	vld [tilespmem:s25+$0xFFFFE090]  }
0x8c: {  	v52 =	vld [tilespmem:s25+$0xFFFFE890]  }
0x8d: {  	v53 =	vld [tilespmem:s25+$0xFFFFF090]  }
0x8e: {  	v54 =	vld [tilespmem:s25+$0xFFFFF890]  }
0x8f: {  	v55 =	vld [tilespmem:s25+$0x90];
	v31 =	vmul.bf16 v31, v15;
	v32 =	vmul.bf16 v60, v16  }
0x90: {  	v56 =	vld [tilespmem:s25+$0x890];
	v33 =	vmul.bf16 v61, v17;
	v34 =	vmul.bf16 v62, v18  }
0x91: {  	v57 =	vld [tilespmem:s25+$0x1090];
	v35 =	vmul.bf16 v63, v19;
	v36 =	vmul.bf16 v48, v20  }
0x92: {  	v58 =	vld [tilespmem:s25+$0x1890];
	v37 =	vmul.bf16 v49, v21;
	v38 =	vmul.bf16 v50, v22  }
0x93: {  	v39 =	vmul.bf16 v51, v23;
	v40 =	vmul.bf16 v52, v24  }
0x94: {  	v41 =	vmul.bf16 v53, v25;
	v42 =	vmul.bf16 v54, v26  }
0x95: {  	v43 =	vmul.bf16 v55, v28;
	v44 =	vmul.bf16 v56, v29  }
0x96: {  	v45 =	vmul.bf16 v57, v30;
	v31 =	vadd.bf16 v32, v31;
	v59 =	vadd.bf16 v34, v33  }
0x97: {  	v60 =	vmul.bf16 v58, v27;
	v61 =	vadd.bf16 v36, v35;
	v62 =	vadd.bf16 v38, v37  }
0x98: {  	v63 =	vadd.bf16 v40, v39;
	v40 =	vadd.bf16 v42, v41  }
0x99: {  	v41 =	vadd.bf16 v44, v43;
	v33 =	vadd.bf16 v60, v45  }
0x9a: {  	v31 =	vadd.bf16 v59, v31;
	v42 =	vadd.bf16 v62, v61  }
0x9b: {  	v43 =	vadd.bf16 v40, v63;
	v33 =	vadd.bf16 v33, v41;
	_ =	sdelay $0x1  }
0x9c: {  	v31 =	vadd.bf16 v42, v31;
	v44 =	vadd.bf16 v33, v43;
	_ =	sdelay $0x1  }
0x9d: {  	v31 =	vadd.bf16 v44, v31;
	_ =	sdelay $0x1  }
0x9e: {  	[tilespmem:s26+$0xFFFFFFD0] =	vst v31  }
0x9f: {  	v31 =	vld [tilespmem:s25+$0xFFFFE020]  }
0xa0: {  	v45 =	vld [tilespmem:s25+$0xFFFFE820]  }
0xa1: {  	v46 =	vld [tilespmem:s25+$0xFFFFF020]  }
0xa2: {  	v47 =	vld [tilespmem:s25+$0xFFFFF820]  }
0xa3: {  	v48 =	vld [tilespmem:s25+$0x20]  }
0xa4: {  	v49 =	vld [tilespmem:s25+$0x820]  }
0xa5: {  	v50 =	vld [tilespmem:s25+$0x1020]  }
0xa6: {  	v51 =	vld [tilespmem:s25+$0x1820]  }
0xa7: {  	v52 =	vld [tilespmem:s25+$0xFFFFE0A0]  }
0xa8: {  	v53 =	vld [tilespmem:s25+$0xFFFFE8A0]  }
0xa9: {  	v54 =	vld [tilespmem:s25+$0xFFFFF0A0]  }
0xaa: {  	v55 =	vld [tilespmem:s25+$0xFFFFF8A0]  }
0xab: {  	v56 =	vld [tilespmem:s25+$0xA0];
	v31 =	vmul.bf16 v31, v15;
	v32 =	vmul.bf16 v45, v16  }
0xac: {  	v57 =	vld [tilespmem:s25+$0x8A0];
	v33 =	vmul.bf16 v46, v17;
	v34 =	vmul.bf16 v47, v18  }
0xad: {  	v58 =	vld [tilespmem:s25+$0x10A0];
	v35 =	vmul.bf16 v48, v19;
	v36 =	vmul.bf16 v49, v20  }
0xae: {  	v59 =	vld [tilespmem:s25+$0x18A0];
	v37 =	vmul.bf16 v50, v21;
	v38 =	vmul.bf16 v51, v22  }
0xaf: {  	v39 =	vmul.bf16 v52, v23;
	v40 =	vmul.bf16 v53, v24  }
0xb0: {  	v41 =	vmul.bf16 v54, v25;
	v42 =	vmul.bf16 v55, v26  }
0xb1: {  	v43 =	vmul.bf16 v56, v28;
	v44 =	vmul.bf16 v57, v29  }
0xb2: {  	v45 =	vmul.bf16 v58, v30;
	v31 =	vadd.bf16 v32, v31;
	v60 =	vadd.bf16 v34, v33  }
0xb3: {  	v61 =	vmul.bf16 v59, v27;
	v62 =	vadd.bf16 v36, v35;
	v63 =	vadd.bf16 v38, v37  }
0xb4: {  	v40 =	vadd.bf16 v40, v39;
	v46 =	vadd.bf16 v42, v41  }
0xb5: {  	v47 =	vadd.bf16 v44, v43;
	v33 =	vadd.bf16 v61, v45  }
0xb6: {  	v31 =	vadd.bf16 v60, v31;
	v48 =	vadd.bf16 v63, v62  }
0xb7: {  	v49 =	vadd.bf16 v46, v40;
	v33 =	vadd.bf16 v33, v47;
	_ =	sdelay $0x1  }
0xb8: {  	v31 =	vadd.bf16 v48, v31;
	v50 =	vadd.bf16 v33, v49;
	_ =	sdelay $0x1  }
0xb9: {  	v31 =	vadd.bf16 v50, v31;
	_ =	sdelay $0x1  }
0xba: {  	[tilespmem:s26+$0xFFFFFFE0] =	vst v31  }
0xbb: {  	v31 =	vld [tilespmem:s25+$0xFFFFE030]  }
0xbc: {  	v51 =	vld [tilespmem:s25+$0xFFFFE830]  }
0xbd: {  	v52 =	vld [tilespmem:s25+$0xFFFFF030]  }
0xbe: {  	v53 =	vld [tilespmem:s25+$0xFFFFF830]  }
0xbf: {  	v54 =	vld [tilespmem:s25+$0x30]  }
0xc0: {  	v55 =	vld [tilespmem:s25+$0x830]  }
0xc1: {  	v56 =	vld [tilespmem:s25+$0x1030]  }
0xc2: {  	v57 =	vld [tilespmem:s25+$0x1830]  }
0xc3: {  	v58 =	vld [tilespmem:s25+$0xFFFFE0B0]  }
0xc4: {  	v59 =	vld [tilespmem:s25+$0xFFFFE8B0]  }
0xc5: {  	v60 =	vld [tilespmem:s25+$0xFFFFF0B0]  }
0xc6: {  	v61 =	vld [tilespmem:s25+$0xFFFFF8B0]  }
0xc7: {  	v62 =	vld [tilespmem:s25+$0xB0];
	v31 =	vmul.bf16 v31, v15;
	v32 =	vmul.bf16 v51, v16  }
0xc8: {  	v63 =	vld [tilespmem:s25+$0x8B0];
	v33 =	vmul.bf16 v52, v17;
	v34 =	vmul.bf16 v53, v18  }
0xc9: {  	v48 =	vld [tilespmem:s25+$0x10B0];
	v35 =	vmul.bf16 v54, v19;
	v36 =	vmul.bf16 v55, v20  }
0xca: {  	v49 =	vld [tilespmem:s25+$0x18B0];
	v37 =	vmul.bf16 v56, v21;
	v38 =	vmul.bf16 v57, v22  }
0xcb: {  	v39 =	vmul.bf16 v58, v23;
	v40 =	vmul.bf16 v59, v24  }
0xcc: {  	v41 =	vmul.bf16 v60, v25;
	v42 =	vmul.bf16 v61, v26  }
0xcd: {  	v43 =	vmul.bf16 v62, v28;
	v44 =	vmul.bf16 v63, v29  }
0xce: {  	v45 =	vmul.bf16 v48, v30;
	v31 =	vadd.bf16 v32, v31;
	v50 =	vadd.bf16 v34, v33  }
0xcf: {  	v51 =	vmul.bf16 v49, v27;
	v52 =	vadd.bf16 v36, v35;
	v53 =	vadd.bf16 v38, v37  }
0xd0: {  	v54 =	vadd.bf16 v40, v39;
	v55 =	vadd.bf16 v42, v41  }
0xd1: {  	v56 =	vadd.bf16 v44, v43;
	v33 =	vadd.bf16 v51, v45  }
0xd2: {  	v31 =	vadd.bf16 v50, v31;
	v57 =	vadd.bf16 v53, v52  }
0xd3: {  	v58 =	vadd.bf16 v55, v54;
	v33 =	vadd.bf16 v33, v56;
	_ =	sdelay $0x1  }
0xd4: {  	v31 =	vadd.bf16 v57, v31;
	v59 =	vadd.bf16 v33, v58;
	_ =	sdelay $0x1  }
0xd5: {  	v31 =	vadd.bf16 v59, v31;
	_ =	sdelay $0x1  }
0xd6: {  	[tilespmem:s26+$0xFFFFFFF0] =	vst v31  }
0xd7: {  	v31 =	vld [tilespmem:s25+$0xFFFFE040]  }
0xd8: {  	v60 =	vld [tilespmem:s25+$0xFFFFE840]  }
0xd9: {  	v61 =	vld [tilespmem:s25+$0xFFFFF040]  }
0xda: {  	v62 =	vld [tilespmem:s25+$0xFFFFF840]  }
0xdb: {  	v63 =	vld [tilespmem:s25+$0x40]  }
0xdc: {  	v48 =	vld [tilespmem:s25+$0x840]  }
0xdd: {  	v49 =	vld [tilespmem:s25+$0x1040]  }
0xde: {  	v50 =	vld [tilespmem:s25+$0x1840]  }
0xdf: {  	v51 =	vld [tilespmem:s25+$0xFFFFE0C0]  }
0xe0: {  	v52 =	vld [tilespmem:s25+$0xFFFFE8C0]  }
0xe1: {  	v53 =	vld [tilespmem:s25+$0xFFFFF0C0]  }
0xe2: {  	v54 =	vld [tilespmem:s25+$0xFFFFF8C0]  }
0xe3: {  	v55 =	vld [tilespmem:s25+$0xC0];
	v31 =	vmul.bf16 v31, v15;
	v32 =	vmul.bf16 v60, v16  }
0xe4: {  	v56 =	vld [tilespmem:s25+$0x8C0];
	v33 =	vmul.bf16 v61, v17;
	v34 =	vmul.bf16 v62, v18  }
0xe5: {  	v57 =	vld [tilespmem:s25+$0x10C0];
	v35 =	vmul.bf16 v63, v19;
	v36 =	vmul.bf16 v48, v20  }
0xe6: {  	v58 =	vld [tilespmem:s25+$0x18C0];
	v37 =	vmul.bf16 v49, v21;
	v38 =	vmul.bf16 v50, v22  }
0xe7: {  	v39 =	vmul.bf16 v51, v23;
	v40 =	vmul.bf16 v52, v24  }
0xe8: {  	v41 =	vmul.bf16 v53, v25;
	v42 =	vmul.bf16 v54, v26  }
0xe9: {  	v43 =	vmul.bf16 v55, v28;
	v44 =	vmul.bf16 v56, v29  }
0xea: {  	v45 =	vmul.bf16 v57, v30;
	v31 =	vadd.bf16 v32, v31;
	v59 =	vadd.bf16 v34, v33  }
0xeb: {  	v60 =	vmul.bf16 v58, v27;
	v61 =	vadd.bf16 v36, v35;
	v62 =	vadd.bf16 v38, v37  }
0xec: {  	v63 =	vadd.bf16 v40, v39;
	v40 =	vadd.bf16 v42, v41  }
0xed: {  	v41 =	vadd.bf16 v44, v43;
	v33 =	vadd.bf16 v60, v45  }
0xee: {  	v31 =	vadd.bf16 v59, v31;
	v42 =	vadd.bf16 v62, v61  }
0xef: {  	v43 =	vadd.bf16 v40, v63;
	v33 =	vadd.bf16 v33, v41;
	_ =	sdelay $0x1  }
0xf0: {  	v31 =	vadd.bf16 v42, v31;
	v44 =	vadd.bf16 v33, v43;
	_ =	sdelay $0x1  }
0xf1: {  	v31 =	vadd.bf16 v44, v31;
	_ =	sdelay $0x1  }
0xf2: {  	[tilespmem:s26+$0x0] =	vst v31  }
0xf3: {  	v31 =	vld [tilespmem:s25+$0xFFFFE050]  }
0xf4: {  	v45 =	vld [tilespmem:s25+$0xFFFFE850]  }
0xf5: {  	v46 =	vld [tilespmem:s25+$0xFFFFF050]  }
0xf6: {  	v47 =	vld [tilespmem:s25+$0xFFFFF850]  }
0xf7: {  	v48 =	vld [tilespmem:s25+$0x50]  }
0xf8: {  	v49 =	vld [tilespmem:s25+$0x850]  }
0xf9: {  	v50 =	vld [tilespmem:s25+$0x1050]  }
0xfa: {  	v51 =	vld [tilespmem:s25+$0x1850]  }
0xfb: {  	v52 =	vld [tilespmem:s25+$0xFFFFE0D0]  }
0xfc: {  	v53 =	vld [tilespmem:s25+$0xFFFFE8D0]  }
0xfd: {  	v54 =	vld [tilespmem:s25+$0xFFFFF0D0]  }
0xfe: {  	v55 =	vld [tilespmem:s25+$0xFFFFF8D0]  }
0xff: {  	v56 =	vld [tilespmem:s25+$0xD0];
	v31 =	vmul.bf16 v31, v15;
	v32 =	vmul.bf16 v45, v16  }
0x100: {  	v57 =	vld [tilespmem:s25+$0x8D0];
	v33 =	vmul.bf16 v46, v17;
	v34 =	vmul.bf16 v47, v18  }
0x101: {  	v58 =	vld [tilespmem:s25+$0x10D0];
	v35 =	vmul.bf16 v48, v19;
	v36 =	vmul.bf16 v49, v20  }
0x102: {  	v59 =	vld [tilespmem:s25+$0x18D0];
	v37 =	vmul.bf16 v50, v21;
	v38 =	vmul.bf16 v51, v22  }
0x103: {  	v39 =	vmul.bf16 v52, v23;
	v40 =	vmul.bf16 v53, v24  }
0x104: {  	v41 =	vmul.bf16 v54, v25;
	v42 =	vmul.bf16 v55, v26  }
0x105: {  	v43 =	vmul.bf16 v56, v28;
	v44 =	vmul.bf16 v57, v29  }
0x106: {  	v45 =	vmul.bf16 v58, v30;
	v31 =	vadd.bf16 v32, v31;
	v60 =	vadd.bf16 v34, v33  }
0x107: {  	v61 =	vmul.bf16 v59, v27;
	v62 =	vadd.bf16 v36, v35;
	v63 =	vadd.bf16 v38, v37  }
0x108: {  	v40 =	vadd.bf16 v40, v39;
	v42 =	vadd.bf16 v42, v41  }
0x109: {  	v44 =	vadd.bf16 v44, v43;
	v33 =	vadd.bf16 v61, v45  }
0x10a: {  	v31 =	vadd.bf16 v60, v31;
	v46 =	vadd.bf16 v63, v62  }
0x10b: {  	v47 =	vadd.bf16 v42, v40;
	v33 =	vadd.bf16 v33, v44;
	_ =	sdelay $0x1  }
0x10c: {  	v31 =	vadd.bf16 v46, v31;
	v48 =	vadd.bf16 v33, v47;
	_ =	sdelay $0x1  }
0x10d: {  	v31 =	vadd.bf16 v48, v31;
	_ =	sdelay $0x1  }
0x10e: {  	[tilespmem:s26+$0x10] =	vst v31  }
0x10f: {  	v31 =	vld [tilespmem:s25+$0xFFFFE060]  }
0x110: {  	v49 =	vld [tilespmem:s25+$0xFFFFE860]  }
0x111: {  	v50 =	vld [tilespmem:s25+$0xFFFFF060]  }
0x112: {  	v51 =	vld [tilespmem:s25+$0xFFFFF860]  }
0x113: {  	v52 =	vld [tilespmem:s25+$0x60]  }
0x114: {  	v53 =	vld [tilespmem:s25+$0x860]  }
0x115: {  	v54 =	vld [tilespmem:s25+$0x1060]  }
0x116: {  	v55 =	vld [tilespmem:s25+$0x1860]  }
0x117: {  	v56 =	vld [tilespmem:s25+$0xFFFFE0E0]  }
0x118: {  	v57 =	vld [tilespmem:s25+$0xFFFFE8E0]  }
0x119: {  	v58 =	vld [tilespmem:s25+$0xFFFFF0E0]  }
0x11a: {  	v59 =	vld [tilespmem:s25+$0xFFFFF8E0]  }
0x11b: {  	v60 =	vld [tilespmem:s25+$0xE0];
	v31 =	vmul.bf16 v31, v15;
	v32 =	vmul.bf16 v49, v16  }
0x11c: {  	v61 =	vld [tilespmem:s25+$0x8E0];
	v33 =	vmul.bf16 v50, v17;
	v34 =	vmul.bf16 v51, v18  }
0x11d: {  	v62 =	vld [tilespmem:s25+$0x10E0];
	v35 =	vmul.bf16 v52, v19;
	v36 =	vmul.bf16 v53, v20  }
0x11e: {  	v63 =	vld [tilespmem:s25+$0x18E0];
	v37 =	vmul.bf16 v54, v21;
	v38 =	vmul.bf16 v55, v22  }
0x11f: {  	v39 =	vmul.bf16 v56, v23;
	v40 =	vmul.bf16 v57, v24  }
0x120: {  	v41 =	vmul.bf16 v58, v25;
	v42 =	vmul.bf16 v59, v26  }
0x121: {  	v43 =	vmul.bf16 v60, v28;
	v44 =	vmul.bf16 v61, v29  }
0x122: {  	v45 =	vmul.bf16 v62, v30;
	v31 =	vadd.bf16 v32, v31;
	v48 =	vadd.bf16 v34, v33  }
0x123: {  	v49 =	vmul.bf16 v63, v27;
	v50 =	vadd.bf16 v36, v35;
	v51 =	vadd.bf16 v38, v37  }
0x124: {  	v52 =	vadd.bf16 v40, v39;
	v53 =	vadd.bf16 v42, v41  }
0x125: {  	v54 =	vadd.bf16 v44, v43;
	v33 =	vadd.bf16 v49, v45  }
0x126: {  	v31 =	vadd.bf16 v48, v31;
	v55 =	vadd.bf16 v51, v50  }
0x127: {  	v56 =	vadd.bf16 v53, v52;
	v33 =	vadd.bf16 v33, v54;
	_ =	sdelay $0x1  }
0x128: {  	v31 =	vadd.bf16 v55, v31;
	v57 =	vadd.bf16 v33, v56;
	_ =	sdelay $0x1  }
0x129: {  	v31 =	vadd.bf16 v57, v31;
	_ =	sdelay $0x1  }
0x12a: {  	[tilespmem:s26+$0x20] =	vst v31  }
0x12b: {  	v31 =	vld [tilespmem:s25+$0xFFFFE070]  }
0x12c: {  	v58 =	vld [tilespmem:s25+$0xFFFFE870]  }
0x12d: {  	v59 =	vld [tilespmem:s25+$0xFFFFF070]  }
0x12e: {  	v60 =	vld [tilespmem:s25+$0xFFFFF870]  }
0x12f: {  	v61 =	vld [tilespmem:s25+$0x70]  }
0x130: {  	v62 =	vld [tilespmem:s25+$0x870]  }
0x131: {  	v63 =	vld [tilespmem:s25+$0x1070]  }
0x132: {  	v45 =	vld [tilespmem:s25+$0x1870]  }
0x133: {  	v46 =	vld [tilespmem:s25+$0xFFFFE0F0]  }
0x134: {  	v47 =	vld [tilespmem:s25+$0xFFFFE8F0]  }
0x135: {  	v48 =	vld [tilespmem:s25+$0xFFFFF0F0]  }
0x136: {  	v49 =	vld [tilespmem:s25+$0xFFFFF8F0]  }
0x137: {  	v50 =	vld [tilespmem:s25+$0xF0];
	v15 =	vmul.bf16 v31, v15;
	v16 =	vmul.bf16 v58, v16  }
0x138: {  	v51 =	vld [tilespmem:s25+$0x8F0];
	v17 =	vmul.bf16 v59, v17;
	v18 =	vmul.bf16 v60, v18  }
0x139: {  	v52 =	vld [tilespmem:s25+$0x10F0];
	v19 =	vmul.bf16 v61, v19;
	v20 =	vmul.bf16 v62, v20  }
0x13a: {  	v53 =	vld [tilespmem:s25+$0x18F0];
	v21 =	vmul.bf16 v63, v21;
	v22 =	vmul.bf16 v45, v22  }
0x13b: {  	v23 =	vmul.bf16 v46, v23;
	v24 =	vmul.bf16 v47, v24  }
0x13c: {  	v25 =	vmul.bf16 v48, v25;
	v26 =	vmul.bf16 v49, v26  }
0x13d: {  	v28 =	vmul.bf16 v50, v28;
	v29 =	vmul.bf16 v51, v29  }
0x13e: {  	v30 =	vmul.bf16 v52, v30;
	v15 =	vadd.bf16 v16, v15;
	v54 =	vadd.bf16 v18, v17  }
0x13f: {  	v55 =	vmul.bf16 v53, v27;
	v56 =	vadd.bf16 v20, v19;
	v57 =	vadd.bf16 v22, v21  }
0x140: {  	v58 =	vadd.bf16 v24, v23;
	v59 =	vadd.bf16 v26, v25  }
0x141: {  	v60 =	vadd.bf16 v29, v28;
	v17 =	vadd.bf16 v55, v30  }
0x142: {  	v15 =	vadd.bf16 v54, v15;
	v61 =	vadd.bf16 v57, v56  }
0x143: {  	v62 =	vadd.bf16 v59, v58;
	v17 =	vadd.bf16 v17, v60  }
0x144: {  	p1 =	sne.s32 s28, $0xC  }
.Ltmp0:
0x145: {  	v15 =	vadd.bf16 v61, v15;
	v63 =	vadd.bf16 v17, v62;
	(pc) =	sbr.rel @p1 .LBB2_4-.Ltmp0, $3  }
0x146: {  	_ = 	snop  }
0x147: {  	v15 =	vadd.bf16 v63, v15;
	_ =	sdelay $0x1  }
0x148: {  	s28 =	sadd.s32 $0x2, s28;
	s25 =	sadd.s32 $0x100, s25;
	[tilespmem:s26+$0x30] =	vst v15;
	s26 =	sadd.s32 $0x80, s26  }
0x149: {  	s23 =	sadd.s32 $0x1, s23  }
0x14a: {  	p1 =	sne.s32 s23, $0x7  }
.Ltmp1:
0x14b: {  	_ = 	snop;
	(pc) =	sbr.rel @p1 .LBB2_3-.Ltmp1, $2  }
0x14c: {  	_ =	sdelay $0x2  }
0x14d: {  	s24 =	sadd.s32 $0x380, s24;
	p0 =	por !p0, !p0  }
0x14e: {  	s23 =	sadd.s32 s4, s22  }
0x14f: {  	s22 =	sadd.s32 $0x1, s22;
	s23 =	smul.u32 $0x380, s23  }
0x150: {  	p0 =	sne.s32 s22, $0x20  }
.Ltmp2:
0x151: {  	s23 =	sadd.s32 s2, s23;
	(pc) =	sbr.rel @p0 .LBB2_2-.Ltmp2, $4  }
0x152: {  	[hbm4b:s23+s3] =	stream.linear.scatter [tilespmem:s20], [sflag:$0x2], $0x1880, $0x38;
	[tilespmem:$0x9E00] =	vst v63  }
0x153: {  	_ =	swait.ge [sflag:s12], $0x1880  }
0x154: {  	[sflag:s12] =	ssyncset.done $0x0  }
0x155: {  	[sflag:s12] =	ssyncadd.s32 $0xFFFFE780  }
0x156: {  	s21 =	sadd.s32 $0x1, s21  }
0x157: {  	p0 =	sne.s32 s21, s11  }
.Ltmp3:
0x158: {  	_ = 	snop;
	(pc) =	sbr.rel @p0 .LBB2_1-.Ltmp3, $1  }
0x159: {  	_ =	sdelay $0x3  }
0x15a: {  	_ =	sfence.sel $0x180000  }
0x15b: {  	[bflag:$0x0] =	sbarrier.arrive $0xFFFF  }
0x15c: {  	p0 =	sne.s32 s0, $0x0;
	_ =	strace $0x90000047  }
0x15d: {  	s0 =	sadd.s32 @!p0 $0x100000, s1;
	[bflag:$0x2] =	sbarrier.arrive $0xFFFF  }
0x15e: {  	[sflag:s0] =	ssyncadd.tile.s32 @!p0 $0x1;
	_ =	shalt  }
.Lfunc_end2:
_tile_overlayer_lowered:
.L_overlay_start_2:
0x15f: {  	(tag) =	ssettag $0x2  }
0x160: {  	s0 =	rddreg [dreg:$0x0];
	s2 =	stileid.u32  }
0x161: {  	s1 =	rddreg [dreg:$0x1];
	p0 =	sne.s32 s2, $0x0  }
0x162: {  	s3 =	rddreg [dreg:$0x2];
	[bflag:$0x3] =	sbarrier.arrive $0xFFFF;
	s2 =	simm.s32 @!p0 $0x1C02  }
0x163: {  	[timem:s3], [sflag:s2] =	dma.local @!p0 [hbm:s0], s1  }
0x164: {  	s0 =	simm.s32 @!p0 $0x2  }
0x165: {  	_ =	swait.ge @!p0 [sflag:s0], s1  }
0x166: {  	s1 =	ssub.s32 @!p0 $0x0, s1;
	[sflag:s0] =	ssyncset.done @!p0 $0x0  }
0x167: {  	[sflag:s0] =	ssyncadd.s32 @!p0 s1  }
0x168: {  	[bflag:$0x3] =	sbarrier.arrive $0xFFFF  }
0x169: {  	_ =	shalt  }

// kernel: sparse-core-data-format-call.cloned.1.call-start
scs
called_computation_lowered:
.L_overlay_start_0:
0x0: {  	s2 =	sld [smem:$0x3FD9]  }
0x1: {  	s3 =	sld [smem:$0x3FFE];
	_ =	sdelay $0x1  }
0x2: {  	s1 =	srdreg.scid  }
0x3: {  	s0 =	sand.u32 $0x1, s1  }
0x4: {  	s18 =	sshll.u32 s0, $0xA;
	s2 =	sadd.s32 s3, s2  }
0x5: {  	s2 =	sadd.s32 s2, s18  }
0x6: {  	[smem:$0x3FC6] =	sst s2  }
0x7: {  	_ = 	snop  }
0x8: {  	s2 =	sld [smem:$0x3FD0];
	(tm) =	ssettm $0x1  }
0x9: {  	s19 =	sld [smem:$0x3FFB];
	_ =	sdelay $0x3  }
0xa: {  	_ =	strace s19  }
0xb: {  	s3 =	sld [smem:$0x3FFC];
	_ =	sdelay $0x3  }
0xc: {  	_ =	strace s3  }
0xd: {  	s3 =	sld [smem:$0x3FFD];
	_ =	sdelay $0x3  }
0xe: {  	_ =	strace s3  }
0xf: {  	_ =	strace $0x8FFFFFFF  }
0x10: {  	s20 =	sld [smem:$0x3FDB];
	_ =	sdelay $0x1  }
0x11: {  	s4 =	simm.s32 $_scs_section_size  }
0x12: {  	s5 =	simm.s32 $_size__tile_overlayer_lowered;
	s6 =	simm.s32 $_tile_overlayer_lowered  }
0x13: {  	s23 =	simm.s32 $0x1BFF;
	s22 =	sshll.u32 s6, $0x1;
	s3 =	sadd.s32 s4, s20  }
0x14: {  	s7 =	simm.s32 $0x0;
	s21 =	sshll.u32 s5, $0x1;
	s5 =	sadd.s32 s22, s3  }
0x15: {  	[timem:s7], [sflag:s23] =	dma.local [hbm:s5], s21  }
0x16: {  	_ =	swait.ge [sflag:s23], s21  }
0x17: {  	s4 =	ssub.s32 $0x0, s21;
	[sflag:s23] =	ssyncset.done $0x0  }
0x18: {  	[sflag:s23] =	ssyncadd.s32 s4;
	_ =	sdelay $0x1  }
0x19: {  	s24 =	simm.s32 $0x1B8B  }
0x1a: {  	_ =	swait.ge [sflag:s24], $0x1  }
0x1b: {  	[sflag:s24] =	ssyncset.done $0x0  }
0x1c: {  	s26 =	simm.s32 $0x1B8E;
	s25 =	sld [smem:$0x3FFE];
	[sflag:s24] =	ssyncadd.s32 $0xFFFFFFFF  }
0x1d: {  	s27 =	simm.s32 $execute0_lowered;
	[smem:$0x3FD2] =	sst s26  }
0x1e: {  	s5 =	sshll.u32 s27, $0x1;
	_ =	strace $0x80000049;
	[dreg:$0x1] =	wrdreg $0xFFFFFFFF  }
0x1f: {  	s28 =	simm.s32 $_size_execute0_lowered;
	s3 =	sadd.s32 s3, s5;
	[dreg:$0x0] =	wrdreg $0x0  }
0x20: {  	s5 =	sshll.u32 s28, $0x1;
	[dreg:$0x2] =	wrdreg s3  }
0x21: {  	[dreg:$0x3] =	wrdreg s5  }
0x22: {  	[dreg:$0x4] =	wrdreg $0xC0  }
0x23: {  	_ =	task [dreg:s7], $0x5FFFF  }
0x24: {  	[dreg:$0x1] =	wrdreg $0xFFFFFFFF  }
0x25: {  	[dreg:$0x0] =	wrdreg $0x60  }
0x26: {  	[dreg:$0x2] =	wrdreg s25  }
0x27: {  	[dreg:$0x3] =	wrdreg s2  }
0x28: {  	[dreg:$0x4] =	wrdreg $0x9  }
0x29: {  	_ =	task.clear_ibuf [dreg:s7], $0x5FFFF;
	_ =	strace $0x90000049  }
0x2a: {  	s29 =	simm.s32 $0x9;
	_ =	strace $0x8000004B  }
0x2b: {  	_ =	swait.ge [sflag:s29], $0x1  }
0x2c: {  	[sflag:s29] =	ssyncadd.s32 $0xFFFFFFFF  }
0x2d: {  	_ =	strace $0x9000004B  }
0x2e: {  	_ =	sfence  }
0x2f: {  	s30 =	sld [smem:$0x0];
	_ =	sdelay $0x2  }
0x30: {  	s31 =	sshll.u32 s1, $0xD;
	s1 =	sshrl.u32 s1, $0x2  }
0x31: {  	s3 =	sand.u32 $0x4000, s31;
	s1 =	sadd.s32 s1, s30  }
0x32: {  	s0 =	sor.u32 s3, s0;
	s1 =	sshll.u32 s1, $0x11  }
0x33: {  	s0 =	sor.u32 s1, s0  }
0x34: {  	s0 =	sadd.s32 $0x8F2B, s0  }
0x35: {  	[sflag:s0] =	ssyncadd.remote.s32 $0x1  }
0x36: {  	_ =	sfence.sel $0xFFFF  }
0x37: {  	[dreg:$0x0] =	wrdreg $0xFFFFFFFF;
	(pc) =	sbr.abs _section_cstart, $3  }
0x38: {  	[dreg:$0x1] =	wrdreg $0xFFFFFFFF  }
0x39: {  	_ =	task.clear_ibuf [dreg:s7], $0x2FFFF;
	_ =	strace $0x9FFFFFFF  }
0x3a: {  	(tm) =	ssettm $0x7FFFFFFF  }
0x3b: {  	_ =	shalt  }
tec
execute0_lowered:
.L_overlay_start_1:
0x0: {  	(tag) =	ssettag $0x1  }
0x1: {  	s8 =	rddreg [dreg:$0x0]  }
0x2: {  	s0 =	stileid.u32;
	s2 =	rddreg [dreg:$0x1]  }
0x3: {  	s5 =	srdreg.scid;
	s9 =	simm.s32 $0x19;
	s31 =	simm.s32 $0x2  }
0x4: {  	s19 =	simm.s32 $0x0;
	s11 =	simm.s32 $0x400;
	s1 =	sshll.u32 s0, $0x7  }
0x5: {  	s12 =	simm.s32 $0x800;
	s13 =	simm.s32 $0x0;
	s3 =	sand.u32 $0x380, s1  }
0x6: {  	s17 =	simm.s32 $0x0;
	s18 =	simm.s32 $0x0;
	s6 =	ssub.s32 $0x400, s3  }
0x7: {  	s4 =	sshrl.u32 s0, $0x3;
	s5 =	sshll.u32 s5, $0x7;
	s7 =	sand.u32 $0x380, s6  }
0x8: {  	s5 =	sand.u32 $0x80, s5;
	p0 =	sne.s32 s7, $0x0;
	s7 =	simm.s32 $0x1  }
0x9: {  	s6 =	sshrl.u32 s6, $0xA;
	s7 =	simm.s32 @!p0 $0x0;
	p0 =	seq.s32 s4, $0x0  }
0xa: {  	s10 =	ssub.s32 $0x100, s5;
	s6 =	sadd.s32 s7, s6;
	s9 =	simm.s32 @!p0 $0x18  }
0xb: {  	s16 =	simm.s32 $0x0;
	s30 =	sshrl.u32 s10, $0x7;
	s9 =	smul.u32 s9, s6  }
.Ltmp0:
0xc: {  	s10 =	sshrl.u32 s10, $0x8;
	s7 =	sand.u32 $0x1, s30;
	(pc) =	sbr.rel .LBB1_1-.Ltmp0, $4  }
0xd: {  	s8 =	sadd.s32 $0xA00, s8;
	s1 =	rddreg [dreg:$0x2];
	s7 =	sadd.s32 s10, s7  }
0xe: {  	_ =	strace $0x8000004A;
	s6 =	simm.s32 $0x1;
	s7 =	smul.u32 s7, s9  }
0xf: {  	s14 =	smov.u32 s4;
	s15 =	smov.u32 s3;
	[sflag:s6] =	ssyncpa.u1 $0x0  }
0x10: {  	[sflag:s31] =	ssyncpa.u1 $0x0;
	s9 =	sshll.u32 s5, $0x3;
	s10 =	sadd.s32 $0x1, s7  }
.LBB1_4:
0x11: {  	_ =	sdelay $0x3  }
0x12: {  	[tilespmem:v0+s22+$0xFFFFFFD0 ss:$0x1] =	vst.idx.msk $0xffff, v6  }
0x13: {  	v56 =	vld.idx.msk [tilespmem:v1+s21+$0x0 ss:$0x1], $0xffff;
	[tilespmem:v0+s22+$0xFFFFFFE0 ss:$0x1] =	vst.idx.msk $0xffff, v4  }
0x14: {  	v57 =	vld.idx.msk [tilespmem:v1+s21+$0xFFFFFF90 ss:$0x1], $0xffff;
	[tilespmem:v0+s22+$0xFFFFFFF0 ss:$0x1] =	vst.idx.msk $0xffff, v2  }
0x15: {  	v58 =	vld.idx.msk [tilespmem:v1+s21+$0xFFFFFFA0 ss:$0x1], $0xffff;
	[tilespmem:v0+s22+$0x0 ss:$0x1] =	vst.idx.msk $0xffff, v3  }
0x16: {  	v59 =	vld.idx.msk [tilespmem:v1+s21+$0xFFFFFFB0 ss:$0x1], $0xffff;
	[tilespmem:v0+s22+$0x10 ss:$0x1] =	vst.idx.msk $0xffff, v5  }
0x17: {  	v60 =	vld.idx.msk [tilespmem:v1+s21+$0xFFFFFFC0 ss:$0x1], $0xffff;
	[tilespmem:v0+s22+$0x20 ss:$0x1] =	vst.idx.msk $0xffff, v7  }
0x18: {  	v61 =	vld.idx.msk [tilespmem:v1+s21+$0xFFFFFFD0 ss:$0x1], $0xffff;
	[tilespmem:v0+s21+$0x30 ss:$0x1] =	vst.idx.msk $0xffff, v56  }
0x19: {  	v62 =	vld.idx.msk [tilespmem:v1+s21+$0xFFFFFFE0 ss:$0x1], $0xffff;
	s29 =	sshll.u32 s18, $0x8;
	[tilespmem:v0+s21+$0xFFFFFFC0 ss:$0x1] =	vst.idx.msk $0xffff, v57  }
0x1a: {  	v63 =	vld.idx.msk [tilespmem:v1+s21+$0xFFFFFFF0 ss:$0x1], $0xffff;
	s19 =	sshll.u32 s19, $0x3;
	s23 =	sshll.u32 s18, $0x7;
	s22 =	sand.u32 $0x3F800, s29;
	[tilespmem:v0+s21+$0xFFFFFFD0 ss:$0x1] =	vst.idx.msk $0xffff, v58  }
0x1b: {  	s30 =	sand.u32 $0x300, s23;
	s19 =	sor.u32 s22, s19;
	[tilespmem:v0+s21+$0xFFFFFFE0 ss:$0x1] =	vst.idx.msk $0xffff, v59  }
0x1c: {  	s17 =	sshll.u32 s17, $0xF;
	s31 =	sshll.u32 s18, $0x4;
	s19 =	sor.u32 s30, s19;
	[tilespmem:v0+s21+$0xFFFFFFF0 ss:$0x1] =	vst.idx.msk $0xffff, v60  }
0x1d: {  	s18 =	sand.u32 $0x10, s31;
	s17 =	sadd.s32 s2, s17;
	s19 =	sshrl.u32 s19, $0x3;
	[tilespmem:v0+s21+$0x0 ss:$0x1] =	vst.idx.msk $0xffff, v61  }
0x1e: {  	s17 =	sadd.s32 s18, s17;
	[tilespmem:v0+s21+$0x10 ss:$0x1] =	vst.idx.msk $0xffff, v62;
	s19 =	sand.u32 $0x7FE0, s19  }
0x1f: {  	[tilespmem:v0+s21+$0x20 ss:$0x1] =	vst.idx.msk $0xffff, v63;
	s17 =	sadd.s32 s19, s17  }
0x20: {  	[hbm4b:s17+s11] =	stream.strided.scatter [tilespmem:s20], [sflag:$0x2], $0x4000, s12, s11, $0x38;
	[tilespmem:$0x10000] =	vst v63  }
.LBB1_5:
0x21: {  	s20 =	sadd.s32 $0x2, s14  }
0x22: {  	s17 =	sadd.s32 $0x400, s15;
	s21 =	smov.u32 s15;
	p1 =	sgt.s32 s20, $0x30  }
0x23: {  	s21 =	smov.u32 @p1 s17  }
0x24: {  	s20 =	smov.u32 @p1 s4;
	p1 =	sgt.s32 s21, $0x3FF  }
0x25: {  	s21 =	smov.u32 @p1 s3;
	p1 =	sne.s32 s16, s10  }
.Ltmp1:
0x26: {  	p0 =	slt.u32 s16, $0x2;
	(pc) =	sbr.rel @!p1 .LBB1_6-.Ltmp1, $4  }
0x27: {  	s18 =	smov.u32 s15;
	s19 =	simm.s32 @!p0 $0x2  }
0x28: {  	s13 =	sadd.s32 $0x4000, s13;
	_ =	swait.ge @!p0 [sflag:s19], $0x4000;
	s17 =	smov.u32 s14  }
0x29: {  	[sflag:s19] =	ssyncset.done @!p0 $0x0;
	s14 =	smov.u32 s20;
	s16 =	sadd.s32 $0x1, s16  }
0x2a: {  	[sflag:s19] =	ssyncadd.s32 @!p0 $0xFFFFC000;
	s19 =	smov.u32 s5;
	s15 =	smov.u32 s21  }
.LBB1_1:
0x2b: {  	p0 =	sge.u32 s16, s7  }
0x2c: {  	s20 =	sshll.u32 @!p0 s14, $0x8  }
0x2d: {  	s21 =	sshll.u32 @!p0 s14, $0x7;
	s20 =	sand.u32 @!p0 $0xFFFFF800, s20  }
0x2e: {  	s21 =	sand.u32 @!p0 $0x300, s21;
	s20 =	sor.u32 @!p0 s9, s20  }
0x2f: {  	s20 =	sor.u32 @!p0 s21, s20  }
0x30: {  	s20 =	sshrl.u32 @!p0 s20, $0x8  }
0x31: {  	s21 =	smulhi.u32 @!p0 $0x4924925, s20;
	_ =	sdelay $0x1  }
0x32: {  	s21 =	smul.u32 @!p0 $0x38, s21  }
0x33: {  	s31 =	sadd.s32 $0xFFFFFFFF, s16;
	s22 =	smul.u32 @!p0 $0x700, s15  }
0x34: {  	s23 =	sxor.u32 @!p0 $0xFFFFFFFF, s16;
	s20 =	ssub.s32 @!p0 s20, s21;
	s21 =	sshll.u32 @!p0 s14, $0x4  }
0x35: {  	s23 =	sshll.u32 @!p0 s23, $0xE;
	s22 =	sadd.s32 @!p0 s8, s22;
	s21 =	sand.u32 @!p0 $0x10, s21  }
0x36: {  	s23 =	sand.u32 @!p0 $0x4000, s23;
	s20 =	sshll.u32 @!p0 s20, $0x5;
	s21 =	sadd.s32 @!p0 s21, s22  }
0x37: {  	s22 =	simm.s32 @!p0 $0x3800;
	s20 =	sadd.s32 @!p0 s20, s21;
	s21 =	simm.s32 @!p0 $0x80  }
0x38: {  	[tilespmem:s23], [sflag:$0x1] =	stream.strided.gather @!p0 [hbm4b:s20+s21], $0x4000, s22, s21, $0x38;
	[tilespmem:$0x10000] =	vst v63  }
0x39: {  	p0 =	sge.u32 s31, s7  }
.Ltmp2:
0x3a: {  	_ = 	snop;
	(pc) =	sbr.rel @p0 .LBB1_5-.Ltmp2, $1  }
0x3b: {  	_ =	sdelay $0x3  }
0x3c: {  	s20 =	sand.u32 $0x4000, s13  }
0x3d: {  	s21 =	sor.u32 $0x70, s20  }
0x3e: {  	v1 =	vmov s21;
	_ =	sdelay $0x1  }
0x3f: {  	_ =	swait.ge [sflag:s6], $0x4000  }
0x40: {  	[sflag:s6] =	ssyncset.done $0x0  }
0x41: {  	s22 =	simm.s32 $0x0;
	[sflag:s6] =	ssyncadd.s32 $0xFFFFC000  }
0x42: {  	s20 =	sor.u32 $0x8040, s20;
	v7 =	vld.idx.msk [tilespmem:v1+s22+$0x0 ss:$0x1], $0xffff  }
0x43: {  	v0 =	vmov s20;
	v8 =	vld.idx.msk [tilespmem:v1+s22+$0xFFFFFF90 ss:$0x1], $0xffff  }
0x44: {  	v6 =	vld.idx.msk [tilespmem:v1+s22+$0xFFFFFFA0 ss:$0x1], $0xffff  }
0x45: {  	v4 =	vld.idx.msk [tilespmem:v1+s22+$0xFFFFFFB0 ss:$0x1], $0xffff  }
0x46: {  	v2 =	vld.idx.msk [tilespmem:v1+s22+$0xFFFFFFC0 ss:$0x1], $0xffff  }
0x47: {  	s31 =	sshll.u32 s16, $0xE;
	v3 =	vld.idx.msk [tilespmem:v1+s22+$0xFFFFFFD0 ss:$0x1], $0xffff  }
0x48: {  	s20 =	sand.u32 $0x4000, s31;
	v5 =	vld.idx.msk [tilespmem:v1+s22+$0xFFFFFFE0 ss:$0x1], $0xffff;
	[tilespmem:v0+s22+$0x30 ss:$0x1] =	vst.idx.msk $0xffff, v7  }
0x49: {  	s23 =	simm.s32 $0x400;
	s21 =	simm.s32 $0x80;
	s20 =	sor.u32 $0x8000, s20;
	[tilespmem:v0+s22+$0xFFFFFFC0 ss:$0x1] =	vst.idx.msk $0xffff, v8;
	v7 =	vld.idx.msk [tilespmem:v1+s22+$0xFFFFFFF0 ss:$0x1], $0xffff  }
.LBB1_3:
0x4a: {  	p0 =	sne.s32 s23, $0xFE00;
	v8 =	vld.idx.msk [tilespmem:v1+s21+$0x0 ss:$0x1], $0xffff;
	[tilespmem:v0+s22+$0xFFFFFFD0 ss:$0x1] =	vst.idx.msk $0xffff, v6  }
0x4b: {  	v9 =	vld.idx.msk [tilespmem:v1+s21+$0xFFFFFF90 ss:$0x1], $0xffff;
	[tilespmem:v0+s22+$0xFFFFFFE0 ss:$0x1] =	vst.idx.msk $0xffff, v4  }
0x4c: {  	v6 =	vld.idx.msk [tilespmem:v1+s21+$0xFFFFFFA0 ss:$0x1], $0xffff;
	[tilespmem:v0+s22+$0xFFFFFFF0 ss:$0x1] =	vst.idx.msk $0xffff, v2  }
.Ltmp3:
0x4d: {  	v4 =	vld.idx.msk [tilespmem:v1+s21+$0xFFFFFFB0 ss:$0x1], $0xffff;
	[tilespmem:v0+s22+$0x0 ss:$0x1] =	vst.idx.msk $0xffff, v3;
	(pc) =	sbr.rel @p0 .LBB1_3-.Ltmp3, $4  }
0x4e: {  	v2 =	vld.idx.msk [tilespmem:v1+s21+$0xFFFFFFC0 ss:$0x1], $0xffff;
	[tilespmem:v0+s22+$0x10 ss:$0x1] =	vst.idx.msk $0xffff, v5  }
0x4f: {  	v3 =	vld.idx.msk [tilespmem:v1+s21+$0xFFFFFFD0 ss:$0x1], $0xffff;
	[tilespmem:v0+s22+$0x20 ss:$0x1] =	vst.idx.msk $0xffff, v7;
	s22 =	smov.u32 s21  }
0x50: {  	v5 =	vld.idx.msk [tilespmem:v1+s22+$0xFFFFFFE0 ss:$0x1], $0xffff;
	[tilespmem:v0+s22+$0x30 ss:$0x1] =	vst.idx.msk $0xffff, v8  }
0x51: {  	s21 =	sshra.s32 s23, $0x2;
	s23 =	sadd.s32 $0x200, s23;
	[tilespmem:v0+s22+$0xFFFFFFC0 ss:$0x1] =	vst.idx.msk $0xffff, v9;
	v7 =	vld.idx.msk [tilespmem:v1+s22+$0xFFFFFFF0 ss:$0x1], $0xffff  }
.Ltmp4:
0x52: {  	_ = 	snop;
	(pc) =	sbr.rel .LBB1_4-.Ltmp4, $1  }
0x53: {  	_ =	sdelay $0x3  }
.LBB1_6:
0x54: {  	_ =	sfence.sel $0x180000  }
0x55: {  	s2 =	simm.s32 $0x1;
	[bflag:$0x0] =	sbarrier.arrive $0xFFFF  }
0x56: {  	s31 =	simm.s32 $0x2;
	[sflag:s2] =	ssyncpa.u1 $0x1  }
0x57: {  	[sflag:s31] =	ssyncpa.u1 $0x1  }
0x58: {  	p0 =	sne.s32 s0, $0x0;
	_ =	strace $0x9000004A  }
0x59: {  	s0 =	sadd.s32 @!p0 $0x100000, s1;
	[bflag:$0x2] =	sbarrier.arrive $0xFFFF  }
0x5a: {  	[sflag:s0] =	ssyncadd.tile.s32 @!p0 $0x1;
	_ =	shalt  }
.Lfunc_end1:
_tile_overlayer_lowered:
.L_overlay_start_2:
0x5b: {  	(tag) =	ssettag $0x2  }
0x5c: {  	s0 =	rddreg [dreg:$0x0];
	s2 =	stileid.u32  }
0x5d: {  	s1 =	rddreg [dreg:$0x1];
	p0 =	sne.s32 s2, $0x0  }
0x5e: {  	s3 =	rddreg [dreg:$0x2];
	[bflag:$0x3] =	sbarrier.arrive $0xFFFF;
	s2 =	simm.s32 @!p0 $0x1C01  }
0x5f: {  	[timem:s3], [sflag:s2] =	dma.local @!p0 [hbm:s0], s1  }
0x60: {  	s0 =	simm.s32 @!p0 $0x1  }
0x61: {  	_ =	swait.ge @!p0 [sflag:s0], s1  }
0x62: {  	s1 =	ssub.s32 @!p0 $0x0, s1;
	[sflag:s0] =	ssyncset.done @!p0 $0x0  }
0x63: {  	[sflag:s0] =	ssyncadd.s32 @!p0 s1  }
0x64: {  	[bflag:$0x3] =	sbarrier.arrive $0xFFFF  }
0x65: {  	_ =	shalt  }

</sc_bundles>
